<compile_context>
chip_gen: v7x
topology: tpu7x:2x2x1
jax: 0.10.2.dev20260603
libtpu: 0.0.44.dev20260713+nightly
codegen_flags: <defaults>
</compile_context>

<pallas_src>
import functools

import jax
import jax.numpy as jnp
from jax import lax
from jax.experimental import pallas as pl
from jax.experimental.pallas import tpu as pltpu
from jax.experimental.pallas import tpu_sc as plsc

D = 32
L = 16


@functools.cache
def _make_gather(BATCH: int, HIST: int):
    info = plsc.get_sparse_core_info()
    NC, NS = info.num_cores, info.num_subcores
    NW = NC * NS
    BPW = BATCH // NW
    NG = BPW // 128

    mesh = plsc.VectorSubcoreMesh(core_axis_name="c", subcore_axis_name="s")

    @functools.partial(
        pl.kernel,
        mesh=mesh,
        compiler_params=pltpu.CompilerParams(
            use_tc_tiling_on_sc=False, needs_layout_passes=False
        ),
        out_type=jax.ShapeDtypeStruct((HIST, D, BATCH), jnp.float32),
        scratch_types=[
            pltpu.VMEM((HIST, BPW), jnp.int32),
            pltpu.VMEM((2, BPW, D), jnp.float32),
            pltpu.VMEM((2, D, BPW + 1), jnp.float32),
            pltpu.SemaphoreType.DMA,
            pltpu.SemaphoreType.DMA,
            pltpu.SemaphoreType.DMA,
        ],
    )
    def k(table_hbm, idx_hbm, out_hbm, idx_v, gbuf, tbuf, gsem0, gsem1, wsem):
        wid = lax.axis_index("s") * NC + lax.axis_index("c")
        b0 = wid * BPW
        pltpu.sync_copy(idx_hbm.at[:, pl.ds(b0, BPW)], idx_v)

        gsems = (gsem0, gsem1)
        evecs = [eh * L + lax.iota(jnp.int32, 16) for eh in range(D // L)]

        def fire(h, gb):
            for j in range(NG):
                pltpu.async_copy(
                    table_hbm.at[idx_v.at[h, pl.ds(j * 128, 128)]],
                    gbuf.at[gb, pl.ds(j * 128, 128)],
                    gsems[gb],
                )

        def drain_gather(gb):
            for j in range(NG):
                pltpu.make_async_copy(
                    table_hbm.at[pl.ds(0, 128)],
                    gbuf.at[gb, pl.ds(j * 128, 128)],
                    gsems[gb],
                ).wait()

        def drain_write(gb):
            pltpu.make_async_copy(
                out_hbm.at[0, :, pl.ds(b0, BPW)],
                tbuf.at[gb, :, pl.ds(0, BPW)],
                wsem,
            ).wait()

        def step(h, gb, p):
            @pl.when(h + 1 < HIST)
            def _():
                fire(h + 1, 1 - gb)

            drain_gather(gb)

            @pl.when(p >= 1)
            def _():
                drain_write(gb)

            src = gbuf.at[gb]
            dst = tbuf.at[gb]

            @plsc.parallel_loop(0, BPW, 1, unroll=8)
            def tr_rows(b):
                bv = jnp.full((16,), 0, jnp.int32) + b
                for eh in range(D // L):
                    vals = src[b, pl.ds(eh * L, L)]
                    plsc.store_scatter(dst, [evecs[eh], bv], vals)
            pltpu.async_copy(
                tbuf.at[gb, :, pl.ds(0, BPW)],
                out_hbm.at[h, :, pl.ds(b0, BPW)],
                wsem,
            )

        fire(0, 0)

        def pair(p, carry):
            step(2 * p, 0, p)
            step(2 * p + 1, 1, p)
            return carry

        lax.fori_loop(0, HIST // 2, pair, 0)
        drain_write(0)
        drain_write(1)

    return k


def kernel(inputs, table):
    BATCH, HIST = inputs.shape
    idx_t = inputs.astype(jnp.int32).T
    out = _make_gather(BATCH, HIST)(table, idx_t)
    return out.transpose(2, 0, 1)

# --- scband reference (transcript-rebuilt; emitter-appended) ---
"""Pipeline reference for scband-embedding-layer-87900800680358 (READ-ONLY COPY).

The authoritative reference and input builder live on the scoring server;
editing this copy changes nothing except your own understanding.
"""

import jax, jax.numpy as jnp
import numpy as np

VOCAB = 1000000
EMBED_DIM = 32
BATCH = 16384
HIST = 50

def setup_inputs(seed: int = 0) -> dict:
    key = jax.random.key(seed)
    k_idx, k_tab = jax.random.split(key)
    inputs = jax.random.randint(k_idx, (BATCH, HIST), 0, VOCAB, dtype=jnp.int64 if jax.config.jax_enable_x64 else jnp.int32)
    # Keras Embedding default initializer is uniform(-0.05, 0.05)
    table = jax.random.uniform(k_tab, (VOCAB, EMBED_DIM), dtype=jnp.float32, minval=-0.05, maxval=0.05)
    return {"inputs": inputs, "table": table}

def reference(inputs, table):
    # tf.keras.layers.Embedding: gather rows of the embedding table
    return jnp.take(table, inputs, axis=0)

if __name__ == "__main__":
    import jax
    _d = setup_inputs()
    print(jax.jit(kernel)(*tuple(_d.values())))

</pallas_src>

<mosaic_0001>
#map = affine_map<(d0, d1) -> (0, 0)>
#map1 = affine_map<(d0, d1) -> (0, 0, 0)>
module attributes {stable_mosaic.version = 14 : i64} {
  func.func @k(%arg0: i32, %arg1: i32, %arg2: memref<1000000x32xf32, #tpu.memory_space<hbm>>, %arg3: memref<50x16384xi32, #tpu.memory_space<hbm>>, %arg4: memref<50x32x16384xf32, #tpu.memory_space<hbm>>, %arg5: memref<50x512xi32, #tpu.memory_space<vmem>>, %arg6: memref<2x512x32xf32, #tpu.memory_space<vmem>>, %arg7: memref<2x32x513xf32, #tpu.memory_space<vmem>>, %arg8: memref<!tpu.dma_semaphore, #tpu.memory_space<semaphore_mem>>, %arg9: memref<!tpu.dma_semaphore, #tpu.memory_space<semaphore_mem>>, %arg10: memref<!tpu.dma_semaphore, #tpu.memory_space<semaphore_mem>>) attributes {dimension_semantics = [#tpu.dimension_semantics<core_parallel>, #tpu.dimension_semantics<subcore_parallel>], iteration_bounds = array<i64: 2, 16>, scalar_prefetch = 0 : i64, scratch_operands = 6 : i64, tpu.core_type = #tpu.core_type<sc_vector_subcore>, window_params = [{transform_indices = #map}, {transform_indices = #map}, {transform_indices = #map1}]} {
    %mul3A = arith.constant 2 : i32
    %mul3A_0 = arith.muli %arg1, %mul3A : i32
    %add3A = arith.addi %mul3A_0, %arg0 : i32
    %mul3A_1 = arith.constant 512 : i32
    %mul3A_2 = arith.muli %add3A, %mul3A_1 : i32
    "tpu.region"() ({
      %run_scoped3A = tpu.sem_alloc : memref<!tpu.dma_semaphore, #tpu.memory_space<semaphore_mem>>
      %dma_start3A_93 = arith.constant 0 : i32
      %dma_start3A_94 = tpu.memref_slice %arg3[%dma_start3A_93, %mul3A_2] : memref<50x16384xi32, #tpu.memory_space<hbm>> -> memref<50x512xi32, #tpu.memory_space<hbm>>
      %dma_start3A_95 = arith.constant 0 : i32
      %dma_start3A_96 = tpu.memref_slice %arg3[%dma_start3A_95, %mul3A_2] : memref<50x16384xi32, #tpu.memory_space<hbm>> -> memref<50x512xi32, #tpu.memory_space<hbm>>
      tpu.enqueue_dma source(%dma_start3A_96 : memref<50x512xi32, #tpu.memory_space<hbm>>) target(%arg5 : memref<50x512xi32, #tpu.memory_space<vmem>>) target_semaphore(%run_scoped3A : memref<!tpu.dma_semaphore, #tpu.memory_space<semaphore_mem>>)
      %dma_wait3A_97 = arith.constant 0 : i32
      %dma_wait3A_98 = tpu.memref_slice %arg3[%dma_wait3A_97, %mul3A_2] : memref<50x16384xi32, #tpu.memory_space<hbm>> -> memref<50x512xi32, #tpu.memory_space<hbm>>
      %dma_wait3A_99 = arith.constant 0 : i32
      %dma_wait3A_100 = tpu.memref_slice %arg3[%dma_wait3A_99, %mul3A_2] : memref<50x16384xi32, #tpu.memory_space<hbm>> -> memref<50x512xi32, #tpu.memory_space<hbm>>
      tpu.wait_dma2 semaphore(%run_scoped3A : memref<!tpu.dma_semaphore, #tpu.memory_space<semaphore_mem>>) src(%dma_wait3A_100 : memref<50x512xi32, #tpu.memory_space<hbm>>) dst(%arg5 : memref<50x512xi32, #tpu.memory_space<vmem>>)
      tpu.yield
    }) : () -> ()
    %iota3A = tpu.iota {dimensions = array<i32: 0>} : vector<16xi32>
    %add3A_3 = arith.constant 0 : i32
    %add3A_4 = vector.broadcast %add3A_3 : i32 to vector<16xi32>
    %add3A_5 = arith.addi %add3A_4, %iota3A : vector<16xi32>
    %iota3A_6 = tpu.iota {dimensions = array<i32: 0>} : vector<16xi32>
    %add3A_7 = arith.constant 16 : i32
    %add3A_8 = vector.broadcast %add3A_7 : i32 to vector<16xi32>
    %add3A_9 = arith.addi %add3A_8, %iota3A_6 : vector<16xi32>
    %dma_start3A = arith.constant 0 : i32
    %dma_start3A_10 = arith.constant 0 : i32
    %dma_start3A_11 = arith.constant 0 : i32
    %dma_start3A_12 = arith.constant 0 : i32
    %dma_start3A_13 = tpu.memref_slice %arg6[%dma_start3A_10, %dma_start3A_11, %dma_start3A_12] : memref<2x512x32xf32, #tpu.memory_space<vmem>> -> memref<1x128x32xf32, #tpu.memory_space<vmem>>
    %dma_start3A_14 = tpu.memref_squeeze %dma_start3A_13 : memref<1x128x32xf32, #tpu.memory_space<vmem>> -> memref<128x32xf32, #tpu.memory_space<vmem>>
    %dma_start3A_15 = arith.constant 0 : i32
    %dma_start3A_16 = tpu.memref_slice %arg5[%dma_start3A, %dma_start3A_15] : memref<50x512xi32, #tpu.memory_space<vmem>> -> memref<1x128xi32, #tpu.memory_space<vmem>>
    %dma_start3A_17 = tpu.memref_squeeze %dma_start3A_16 : memref<1x128xi32, #tpu.memory_space<vmem>> -> memref<128xi32, #tpu.memory_space<vmem>>
    %dma_start3A_18 = arith.constant 0 : i32
    %dma_start3A_19 = arith.constant 0 : i32
    %dma_start3A_20 = tpu.memref_slice %arg2[%dma_start3A_18, %dma_start3A_19] : memref<1000000x32xf32, #tpu.memory_space<hbm>> -> memref<1000000x32xf32, #tpu.memory_space<hbm>>
    tpu.enqueue_indirect_dma source(%dma_start3A_20 : memref<1000000x32xf32, #tpu.memory_space<hbm>>) target(%dma_start3A_14 : memref<128x32xf32, #tpu.memory_space<vmem>>) offsets(%dma_start3A_17 : memref<128xi32, #tpu.memory_space<vmem>>) semaphore(%arg8 : memref<!tpu.dma_semaphore, #tpu.memory_space<semaphore_mem>>)
    %dma_start3A_21 = arith.constant 0 : i32
    %dma_start3A_22 = arith.constant 0 : i32
    %dma_start3A_23 = arith.constant 128 : i32
    %dma_start3A_24 = arith.constant 0 : i32
    %dma_start3A_25 = tpu.memref_slice %arg6[%dma_start3A_22, %dma_start3A_23, %dma_start3A_24] : memref<2x512x32xf32, #tpu.memory_space<vmem>> -> memref<1x128x32xf32, #tpu.memory_space<vmem>>
    %dma_start3A_26 = tpu.memref_squeeze %dma_start3A_25 : memref<1x128x32xf32, #tpu.memory_space<vmem>> -> memref<128x32xf32, #tpu.memory_space<vmem>>
    %dma_start3A_27 = arith.constant 128 : i32
    %dma_start3A_28 = tpu.memref_slice %arg5[%dma_start3A_21, %dma_start3A_27] : memref<50x512xi32, #tpu.memory_space<vmem>> -> memref<1x128xi32, #tpu.memory_space<vmem>>
    %dma_start3A_29 = tpu.memref_squeeze %dma_start3A_28 : memref<1x128xi32, #tpu.memory_space<vmem>> -> memref<128xi32, #tpu.memory_space<vmem>>
    %dma_start3A_30 = arith.constant 0 : i32
    %dma_start3A_31 = arith.constant 0 : i32
    %dma_start3A_32 = tpu.memref_slice %arg2[%dma_start3A_30, %dma_start3A_31] : memref<1000000x32xf32, #tpu.memory_space<hbm>> -> memref<1000000x32xf32, #tpu.memory_space<hbm>>
    tpu.enqueue_indirect_dma source(%dma_start3A_32 : memref<1000000x32xf32, #tpu.memory_space<hbm>>) target(%dma_start3A_26 : memref<128x32xf32, #tpu.memory_space<vmem>>) offsets(%dma_start3A_29 : memref<128xi32, #tpu.memory_space<vmem>>) semaphore(%arg8 : memref<!tpu.dma_semaphore, #tpu.memory_space<semaphore_mem>>)
    %dma_start3A_33 = arith.constant 0 : i32
    %dma_start3A_34 = arith.constant 0 : i32
    %dma_start3A_35 = arith.constant 256 : i32
    %dma_start3A_36 = arith.constant 0 : i32
    %dma_start3A_37 = tpu.memref_slice %arg6[%dma_start3A_34, %dma_start3A_35, %dma_start3A_36] : memref<2x512x32xf32, #tpu.memory_space<vmem>> -> memref<1x128x32xf32, #tpu.memory_space<vmem>>
    %dma_start3A_38 = tpu.memref_squeeze %dma_start3A_37 : memref<1x128x32xf32, #tpu.memory_space<vmem>> -> memref<128x32xf32, #tpu.memory_space<vmem>>
    %dma_start3A_39 = arith.constant 256 : i32
    %dma_start3A_40 = tpu.memref_slice %arg5[%dma_start3A_33, %dma_start3A_39] : memref<50x512xi32, #tpu.memory_space<vmem>> -> memref<1x128xi32, #tpu.memory_space<vmem>>
    %dma_start3A_41 = tpu.memref_squeeze %dma_start3A_40 : memref<1x128xi32, #tpu.memory_space<vmem>> -> memref<128xi32, #tpu.memory_space<vmem>>
    %dma_start3A_42 = arith.constant 0 : i32
    %dma_start3A_43 = arith.constant 0 : i32
    %dma_start3A_44 = tpu.memref_slice %arg2[%dma_start3A_42, %dma_start3A_43] : memref<1000000x32xf32, #tpu.memory_space<hbm>> -> memref<1000000x32xf32, #tpu.memory_space<hbm>>
    tpu.enqueue_indirect_dma source(%dma_start3A_44 : memref<1000000x32xf32, #tpu.memory_space<hbm>>) target(%dma_start3A_38 : memref<128x32xf32, #tpu.memory_space<vmem>>) offsets(%dma_start3A_41 : memref<128xi32, #tpu.memory_space<vmem>>) semaphore(%arg8 : memref<!tpu.dma_semaphore, #tpu.memory_space<semaphore_mem>>)
    %dma_start3A_45 = arith.constant 0 : i32
    %dma_start3A_46 = arith.constant 0 : i32
    %dma_start3A_47 = arith.constant 384 : i32
    %dma_start3A_48 = arith.constant 0 : i32
    %dma_start3A_49 = tpu.memref_slice %arg6[%dma_start3A_46, %dma_start3A_47, %dma_start3A_48] : memref<2x512x32xf32, #tpu.memory_space<vmem>> -> memref<1x128x32xf32, #tpu.memory_space<vmem>>
    %dma_start3A_50 = tpu.memref_squeeze %dma_start3A_49 : memref<1x128x32xf32, #tpu.memory_space<vmem>> -> memref<128x32xf32, #tpu.memory_space<vmem>>
    %dma_start3A_51 = arith.constant 384 : i32
    %dma_start3A_52 = tpu.memref_slice %arg5[%dma_start3A_45, %dma_start3A_51] : memref<50x512xi32, #tpu.memory_space<vmem>> -> memref<1x128xi32, #tpu.memory_space<vmem>>
    %dma_start3A_53 = tpu.memref_squeeze %dma_start3A_52 : memref<1x128xi32, #tpu.memory_space<vmem>> -> memref<128xi32, #tpu.memory_space<vmem>>
    %dma_start3A_54 = arith.constant 0 : i32
    %dma_start3A_55 = arith.constant 0 : i32
    %dma_start3A_56 = tpu.memref_slice %arg2[%dma_start3A_54, %dma_start3A_55] : memref<1000000x32xf32, #tpu.memory_space<hbm>> -> memref<1000000x32xf32, #tpu.memory_space<hbm>>
    tpu.enqueue_indirect_dma source(%dma_start3A_56 : memref<1000000x32xf32, #tpu.memory_space<hbm>>) target(%dma_start3A_50 : memref<128x32xf32, #tpu.memory_space<vmem>>) offsets(%dma_start3A_53 : memref<128xi32, #tpu.memory_space<vmem>>) semaphore(%arg8 : memref<!tpu.dma_semaphore, #tpu.memory_space<semaphore_mem>>)
    %scan3A = arith.constant 0 : i32
    %scan3A_57 = arith.constant 0 : i32
    %scan3A_58 = arith.constant 25 : i32
    %scan3A_59 = arith.addi %scan3A_57, %scan3A_58 : i32
    %scan3A_60 = arith.constant 1 : i32
    scf.for %scan3A_93 = %scan3A_57 to %scan3A_59 step %scan3A_60  : i32 {
      %mul3A_94 = arith.constant 2 : i32
      %mul3A_95 = arith.muli %mul3A_94, %scan3A_93 : i32
      %add3A_96 = arith.constant 1 : i32
      %add3A_97 = arith.addi %mul3A_95, %add3A_96 : i32
      %lt3A = arith.constant 50 : i32
      %lt3A_98 = arith.cmpi slt, %add3A_97, %lt3A : i32
      %convert_element_type3A = arith.extui %lt3A_98 : i1 to i32
      %cond3A = arith.constant 0 : i32
      %cond3A_99 = arith.cmpi ne, %convert_element_type3A, %cond3A : i32
      scf.if %cond3A_99 {
        %add3A_279 = arith.constant 1 : i32
        %add3A_280 = arith.addi %mul3A_95, %add3A_279 : i32
        %dma_start3A_281 = arith.constant 1 : i32
        %dma_start3A_282 = arith.constant 0 : i32
        %dma_start3A_283 = arith.constant 0 : i32
        %dma_start3A_284 = tpu.memref_slice %arg6[%dma_start3A_281, %dma_start3A_282, %dma_start3A_283] : memref<2x512x32xf32, #tpu.memory_space<vmem>> -> memref<1x128x32xf32, #tpu.memory_space<vmem>>
        %dma_start3A_285 = tpu.memref_squeeze %dma_start3A_284 : memref<1x128x32xf32, #tpu.memory_space<vmem>> -> memref<128x32xf32, #tpu.memory_space<vmem>>
        %dma_start3A_286 = arith.constant 0 : i32
        %dma_start3A_287 = tpu.memref_slice %arg5[%add3A_280, %dma_start3A_286] : memref<50x512xi32, #tpu.memory_space<vmem>> -> memref<1x128xi32, #tpu.memory_space<vmem>>
        %dma_start3A_288 = tpu.memref_squeeze %dma_start3A_287 : memref<1x128xi32, #tpu.memory_space<vmem>> -> memref<128xi32, #tpu.memory_space<vmem>>
        %dma_start3A_289 = arith.constant 0 : i32
        %dma_start3A_290 = arith.constant 0 : i32
        %dma_start3A_291 = tpu.memref_slice %arg2[%dma_start3A_289, %dma_start3A_290] : memref<1000000x32xf32, #tpu.memory_space<hbm>> -> memref<1000000x32xf32, #tpu.memory_space<hbm>>
        tpu.enqueue_indirect_dma source(%dma_start3A_291 : memref<1000000x32xf32, #tpu.memory_space<hbm>>) target(%dma_start3A_285 : memref<128x32xf32, #tpu.memory_space<vmem>>) offsets(%dma_start3A_288 : memref<128xi32, #tpu.memory_space<vmem>>) semaphore(%arg9 : memref<!tpu.dma_semaphore, #tpu.memory_space<semaphore_mem>>)
        %dma_start3A_292 = arith.constant 1 : i32
        %dma_start3A_293 = arith.constant 128 : i32
        %dma_start3A_294 = arith.constant 0 : i32
        %dma_start3A_295 = tpu.memref_slice %arg6[%dma_start3A_292, %dma_start3A_293, %dma_start3A_294] : memref<2x512x32xf32, #tpu.memory_space<vmem>> -> memref<1x128x32xf32, #tpu.memory_space<vmem>>
        %dma_start3A_296 = tpu.memref_squeeze %dma_start3A_295 : memref<1x128x32xf32, #tpu.memory_space<vmem>> -> memref<128x32xf32, #tpu.memory_space<vmem>>
        %dma_start3A_297 = arith.constant 128 : i32
        %dma_start3A_298 = tpu.memref_slice %arg5[%add3A_280, %dma_start3A_297] : memref<50x512xi32, #tpu.memory_space<vmem>> -> memref<1x128xi32, #tpu.memory_space<vmem>>
        %dma_start3A_299 = tpu.memref_squeeze %dma_start3A_298 : memref<1x128xi32, #tpu.memory_space<vmem>> -> memref<128xi32, #tpu.memory_space<vmem>>
        %dma_start3A_300 = arith.constant 0 : i32
        %dma_start3A_301 = arith.constant 0 : i32
        %dma_start3A_302 = tpu.memref_slice %arg2[%dma_start3A_300, %dma_start3A_301] : memref<1000000x32xf32, #tpu.memory_space<hbm>> -> memref<1000000x32xf32, #tpu.memory_space<hbm>>
        tpu.enqueue_indirect_dma source(%dma_start3A_302 : memref<1000000x32xf32, #tpu.memory_space<hbm>>) target(%dma_start3A_296 : memref<128x32xf32, #tpu.memory_space<vmem>>) offsets(%dma_start3A_299 : memref<128xi32, #tpu.memory_space<vmem>>) semaphore(%arg9 : memref<!tpu.dma_semaphore, #tpu.memory_space<semaphore_mem>>)
        %dma_start3A_303 = arith.constant 1 : i32
        %dma_start3A_304 = arith.constant 256 : i32
        %dma_start3A_305 = arith.constant 0 : i32
        %dma_start3A_306 = tpu.memref_slice %arg6[%dma_start3A_303, %dma_start3A_304, %dma_start3A_305] : memref<2x512x32xf32, #tpu.memory_space<vmem>> -> memref<1x128x32xf32, #tpu.memory_space<vmem>>
        %dma_start3A_307 = tpu.memref_squeeze %dma_start3A_306 : memref<1x128x32xf32, #tpu.memory_space<vmem>> -> memref<128x32xf32, #tpu.memory_space<vmem>>
        %dma_start3A_308 = arith.constant 256 : i32
        %dma_start3A_309 = tpu.memref_slice %arg5[%add3A_280, %dma_start3A_308] : memref<50x512xi32, #tpu.memory_space<vmem>> -> memref<1x128xi32, #tpu.memory_space<vmem>>
        %dma_start3A_310 = tpu.memref_squeeze %dma_start3A_309 : memref<1x128xi32, #tpu.memory_space<vmem>> -> memref<128xi32, #tpu.memory_space<vmem>>
        %dma_start3A_311 = arith.constant 0 : i32
        %dma_start3A_312 = arith.constant 0 : i32
        %dma_start3A_313 = tpu.memref_slice %arg2[%dma_start3A_311, %dma_start3A_312] : memref<1000000x32xf32, #tpu.memory_space<hbm>> -> memref<1000000x32xf32, #tpu.memory_space<hbm>>
        tpu.enqueue_indirect_dma source(%dma_start3A_313 : memref<1000000x32xf32, #tpu.memory_space<hbm>>) target(%dma_start3A_307 : memref<128x32xf32, #tpu.memory_space<vmem>>) offsets(%dma_start3A_310 : memref<128xi32, #tpu.memory_space<vmem>>) semaphore(%arg9 : memref<!tpu.dma_semaphore, #tpu.memory_space<semaphore_mem>>)
        %dma_start3A_314 = arith.constant 1 : i32
        %dma_start3A_315 = arith.constant 384 : i32
        %dma_start3A_316 = arith.constant 0 : i32
        %dma_start3A_317 = tpu.memref_slice %arg6[%dma_start3A_314, %dma_start3A_315, %dma_start3A_316] : memref<2x512x32xf32, #tpu.memory_space<vmem>> -> memref<1x128x32xf32, #tpu.memory_space<vmem>>
        %dma_start3A_318 = tpu.memref_squeeze %dma_start3A_317 : memref<1x128x32xf32, #tpu.memory_space<vmem>> -> memref<128x32xf32, #tpu.memory_space<vmem>>
        %dma_start3A_319 = arith.constant 384 : i32
        %dma_start3A_320 = tpu.memref_slice %arg5[%add3A_280, %dma_start3A_319] : memref<50x512xi32, #tpu.memory_space<vmem>> -> memref<1x128xi32, #tpu.memory_space<vmem>>
        %dma_start3A_321 = tpu.memref_squeeze %dma_start3A_320 : memref<1x128xi32, #tpu.memory_space<vmem>> -> memref<128xi32, #tpu.memory_space<vmem>>
        %dma_start3A_322 = arith.constant 0 : i32
        %dma_start3A_323 = arith.constant 0 : i32
        %dma_start3A_324 = tpu.memref_slice %arg2[%dma_start3A_322, %dma_start3A_323] : memref<1000000x32xf32, #tpu.memory_space<hbm>> -> memref<1000000x32xf32, #tpu.memory_space<hbm>>
        tpu.enqueue_indirect_dma source(%dma_start3A_324 : memref<1000000x32xf32, #tpu.memory_space<hbm>>) target(%dma_start3A_318 : memref<128x32xf32, #tpu.memory_space<vmem>>) offsets(%dma_start3A_321 : memref<128xi32, #tpu.memory_space<vmem>>) semaphore(%arg9 : memref<!tpu.dma_semaphore, #tpu.memory_space<semaphore_mem>>)
      } else {
      }
      %dma_wait3A_100 = arith.constant 0 : i32
      %dma_wait3A_101 = arith.constant 0 : i32
      %dma_wait3A_102 = arith.constant 0 : i32
      %dma_wait3A_103 = tpu.memref_slice %arg6[%dma_wait3A_100, %dma_wait3A_101, %dma_wait3A_102] : memref<2x512x32xf32, #tpu.memory_space<vmem>> -> memref<1x128x32xf32, #tpu.memory_space<vmem>>
      %dma_wait3A_104 = tpu.memref_squeeze %dma_wait3A_103 : memref<1x128x32xf32, #tpu.memory_space<vmem>> -> memref<128x32xf32, #tpu.memory_space<vmem>>
      %dma_wait3A_105 = arith.constant 0 : i32
      %dma_wait3A_106 = arith.constant 0 : i32
      %dma_wait3A_107 = tpu.memref_slice %arg2[%dma_wait3A_105, %dma_wait3A_106] : memref<1000000x32xf32, #tpu.memory_space<hbm>> -> memref<128x32xf32, #tpu.memory_space<hbm>>
      %dma_wait3A_108 = arith.constant 0 : i32
      %dma_wait3A_109 = arith.constant 0 : i32
      %dma_wait3A_110 = tpu.memref_slice %arg6[%dma_wait3A_100, %dma_wait3A_108, %dma_wait3A_109] : memref<2x512x32xf32, #tpu.memory_space<vmem>> -> memref<1x128x32xf32, #tpu.memory_space<vmem>>
      %dma_wait3A_111 = tpu.memref_squeeze %dma_wait3A_110 : memref<1x128x32xf32, #tpu.memory_space<vmem>> -> memref<128x32xf32, #tpu.memory_space<vmem>>
      %dma_wait3A_112 = arith.constant 0 : i32
      %dma_wait3A_113 = arith.constant 0 : i32
      %dma_wait3A_114 = tpu.memref_slice %arg2[%dma_wait3A_112, %dma_wait3A_113] : memref<1000000x32xf32, #tpu.memory_space<hbm>> -> memref<128x32xf32, #tpu.memory_space<hbm>>
      tpu.wait_dma2 semaphore(%arg8 : memref<!tpu.dma_semaphore, #tpu.memory_space<semaphore_mem>>) src(%dma_wait3A_114 : memref<128x32xf32, #tpu.memory_space<hbm>>) dst(%dma_wait3A_111 : memref<128x32xf32, #tpu.memory_space<vmem>>)
      %dma_wait3A_115 = arith.constant 0 : i32
      %dma_wait3A_116 = arith.constant 128 : i32
      %dma_wait3A_117 = arith.constant 0 : i32
      %dma_wait3A_118 = tpu.memref_slice %arg6[%dma_wait3A_115, %dma_wait3A_116, %dma_wait3A_117] : memref<2x512x32xf32, #tpu.memory_space<vmem>> -> memref<1x128x32xf32, #tpu.memory_space<vmem>>
      %dma_wait3A_119 = tpu.memref_squeeze %dma_wait3A_118 : memref<1x128x32xf32, #tpu.memory_space<vmem>> -> memref<128x32xf32, #tpu.memory_space<vmem>>
      %dma_wait3A_120 = arith.constant 0 : i32
      %dma_wait3A_121 = arith.constant 0 : i32
      %dma_wait3A_122 = tpu.memref_slice %arg2[%dma_wait3A_120, %dma_wait3A_121] : memref<1000000x32xf32, #tpu.memory_space<hbm>> -> memref<128x32xf32, #tpu.memory_space<hbm>>
      %dma_wait3A_123 = arith.constant 128 : i32
      %dma_wait3A_124 = arith.constant 0 : i32
      %dma_wait3A_125 = tpu.memref_slice %arg6[%dma_wait3A_115, %dma_wait3A_123, %dma_wait3A_124] : memref<2x512x32xf32, #tpu.memory_space<vmem>> -> memref<1x128x32xf32, #tpu.memory_space<vmem>>
      %dma_wait3A_126 = tpu.memref_squeeze %dma_wait3A_125 : memref<1x128x32xf32, #tpu.memory_space<vmem>> -> memref<128x32xf32, #tpu.memory_space<vmem>>
      %dma_wait3A_127 = arith.constant 0 : i32
      %dma_wait3A_128 = arith.constant 0 : i32
      %dma_wait3A_129 = tpu.memref_slice %arg2[%dma_wait3A_127, %dma_wait3A_128] : memref<1000000x32xf32, #tpu.memory_space<hbm>> -> memref<128x32xf32, #tpu.memory_space<hbm>>
      tpu.wait_dma2 semaphore(%arg8 : memref<!tpu.dma_semaphore, #tpu.memory_space<semaphore_mem>>) src(%dma_wait3A_129 : memref<128x32xf32, #tpu.memory_space<hbm>>) dst(%dma_wait3A_126 : memref<128x32xf32, #tpu.memory_space<vmem>>)
      %dma_wait3A_130 = arith.constant 0 : i32
      %dma_wait3A_131 = arith.constant 256 : i32
      %dma_wait3A_132 = arith.constant 0 : i32
      %dma_wait3A_133 = tpu.memref_slice %arg6[%dma_wait3A_130, %dma_wait3A_131, %dma_wait3A_132] : memref<2x512x32xf32, #tpu.memory_space<vmem>> -> memref<1x128x32xf32, #tpu.memory_space<vmem>>
      %dma_wait3A_134 = tpu.memref_squeeze %dma_wait3A_133 : memref<1x128x32xf32, #tpu.memory_space<vmem>> -> memref<128x32xf32, #tpu.memory_space<vmem>>
      %dma_wait3A_135 = arith.constant 0 : i32
      %dma_wait3A_136 = arith.constant 0 : i32
      %dma_wait3A_137 = tpu.memref_slice %arg2[%dma_wait3A_135, %dma_wait3A_136] : memref<1000000x32xf32, #tpu.memory_space<hbm>> -> memref<128x32xf32, #tpu.memory_space<hbm>>
      %dma_wait3A_138 = arith.constant 256 : i32
      %dma_wait3A_139 = arith.constant 0 : i32
      %dma_wait3A_140 = tpu.memref_slice %arg6[%dma_wait3A_130, %dma_wait3A_138, %dma_wait3A_139] : memref<2x512x32xf32, #tpu.memory_space<vmem>> -> memref<1x128x32xf32, #tpu.memory_space<vmem>>
      %dma_wait3A_141 = tpu.memref_squeeze %dma_wait3A_140 : memref<1x128x32xf32, #tpu.memory_space<vmem>> -> memref<128x32xf32, #tpu.memory_space<vmem>>
      %dma_wait3A_142 = arith.constant 0 : i32
      %dma_wait3A_143 = arith.constant 0 : i32
      %dma_wait3A_144 = tpu.memref_slice %arg2[%dma_wait3A_142, %dma_wait3A_143] : memref<1000000x32xf32, #tpu.memory_space<hbm>> -> memref<128x32xf32, #tpu.memory_space<hbm>>
      tpu.wait_dma2 semaphore(%arg8 : memref<!tpu.dma_semaphore, #tpu.memory_space<semaphore_mem>>) src(%dma_wait3A_144 : memref<128x32xf32, #tpu.memory_space<hbm>>) dst(%dma_wait3A_141 : memref<128x32xf32, #tpu.memory_space<vmem>>)
      %dma_wait3A_145 = arith.constant 0 : i32
      %dma_wait3A_146 = arith.constant 384 : i32
      %dma_wait3A_147 = arith.constant 0 : i32
      %dma_wait3A_148 = tpu.memref_slice %arg6[%dma_wait3A_145, %dma_wait3A_146, %dma_wait3A_147] : memref<2x512x32xf32, #tpu.memory_space<vmem>> -> memref<1x128x32xf32, #tpu.memory_space<vmem>>
      %dma_wait3A_149 = tpu.memref_squeeze %dma_wait3A_148 : memref<1x128x32xf32, #tpu.memory_space<vmem>> -> memref<128x32xf32, #tpu.memory_space<vmem>>
      %dma_wait3A_150 = arith.constant 0 : i32
      %dma_wait3A_151 = arith.constant 0 : i32
      %dma_wait3A_152 = tpu.memref_slice %arg2[%dma_wait3A_150, %dma_wait3A_151] : memref<1000000x32xf32, #tpu.memory_space<hbm>> -> memref<128x32xf32, #tpu.memory_space<hbm>>
      %dma_wait3A_153 = arith.constant 384 : i32
      %dma_wait3A_154 = arith.constant 0 : i32
      %dma_wait3A_155 = tpu.memref_slice %arg6[%dma_wait3A_145, %dma_wait3A_153, %dma_wait3A_154] : memref<2x512x32xf32, #tpu.memory_space<vmem>> -> memref<1x128x32xf32, #tpu.memory_space<vmem>>
      %dma_wait3A_156 = tpu.memref_squeeze %dma_wait3A_155 : memref<1x128x32xf32, #tpu.memory_space<vmem>> -> memref<128x32xf32, #tpu.memory_space<vmem>>
      %dma_wait3A_157 = arith.constant 0 : i32
      %dma_wait3A_158 = arith.constant 0 : i32
      %dma_wait3A_159 = tpu.memref_slice %arg2[%dma_wait3A_157, %dma_wait3A_158] : memref<1000000x32xf32, #tpu.memory_space<hbm>> -> memref<128x32xf32, #tpu.memory_space<hbm>>
      tpu.wait_dma2 semaphore(%arg8 : memref<!tpu.dma_semaphore, #tpu.memory_space<semaphore_mem>>) src(%dma_wait3A_159 : memref<128x32xf32, #tpu.memory_space<hbm>>) dst(%dma_wait3A_156 : memref<128x32xf32, #tpu.memory_space<vmem>>)
      %ge3A = arith.constant 1 : i32
      %ge3A_160 = arith.cmpi sge, %scan3A_93, %ge3A : i32
      %convert_element_type3A_161 = arith.extui %ge3A_160 : i1 to i32
      %cond3A_162 = arith.constant 0 : i32
      %cond3A_163 = arith.cmpi ne, %convert_element_type3A_161, %cond3A_162 : i32
      scf.if %cond3A_163 {
        %dma_wait3A_279 = arith.constant 0 : i32
        %dma_wait3A_280 = arith.constant 0 : i32
        %dma_wait3A_281 = arith.constant 0 : i32
        %dma_wait3A_282 = arith.constant 0 : i32
        %dma_wait3A_283 = tpu.memref_slice %arg7[%dma_wait3A_280, %dma_wait3A_281, %dma_wait3A_282] : memref<2x32x513xf32, #tpu.memory_space<vmem>> -> memref<1x32x512xf32, #tpu.memory_space<vmem>>
        %dma_wait3A_284 = tpu.memref_squeeze %dma_wait3A_283 : memref<1x32x512xf32, #tpu.memory_space<vmem>> -> memref<32x512xf32, #tpu.memory_space<vmem>>
        %dma_wait3A_285 = arith.constant 0 : i32
        %dma_wait3A_286 = tpu.memref_slice %arg4[%dma_wait3A_279, %dma_wait3A_285, %mul3A_2] : memref<50x32x16384xf32, #tpu.memory_space<hbm>> -> memref<1x32x512xf32, #tpu.memory_space<hbm>>
        %dma_wait3A_287 = tpu.memref_squeeze %dma_wait3A_286 : memref<1x32x512xf32, #tpu.memory_space<hbm>> -> memref<32x512xf32, #tpu.memory_space<hbm>>
        %dma_wait3A_288 = arith.constant 0 : i32
        %dma_wait3A_289 = arith.constant 0 : i32
        %dma_wait3A_290 = tpu.memref_slice %arg7[%dma_wait3A_280, %dma_wait3A_288, %dma_wait3A_289] : memref<2x32x513xf32, #tpu.memory_space<vmem>> -> memref<1x32x512xf32, #tpu.memory_space<vmem>>
        %dma_wait3A_291 = tpu.memref_squeeze %dma_wait3A_290 : memref<1x32x512xf32, #tpu.memory_space<vmem>> -> memref<32x512xf32, #tpu.memory_space<vmem>>
        %dma_wait3A_292 = arith.constant 0 : i32
        %dma_wait3A_293 = tpu.memref_slice %arg4[%dma_wait3A_279, %dma_wait3A_292, %mul3A_2] : memref<50x32x16384xf32, #tpu.memory_space<hbm>> -> memref<1x32x512xf32, #tpu.memory_space<hbm>>
        %dma_wait3A_294 = tpu.memref_squeeze %dma_wait3A_293 : memref<1x32x512xf32, #tpu.memory_space<hbm>> -> memref<32x512xf32, #tpu.memory_space<hbm>>
        tpu.wait_dma2 semaphore(%arg10 : memref<!tpu.dma_semaphore, #tpu.memory_space<semaphore_mem>>) src(%dma_wait3A_294 : memref<32x512xf32, #tpu.memory_space<hbm>>) dst(%dma_wait3A_291 : memref<32x512xf32, #tpu.memory_space<vmem>>)
      } else {
      }
      %parallel_loop3A = arith.constant 0 : i32
      %parallel_loop3A_164 = arith.constant 512 : i32
      %parallel_loop3A_165 = arith.constant 1 : i32
      %parallel_loop3A_166 = arith.constant 0 : i32
      %parallel_loop3A_167 = arith.constant 0 : i32
      scf.for %parallel_loop3A_279 = %parallel_loop3A to %parallel_loop3A_164 step %parallel_loop3A_165  : i32 {
        %parallel_loop3A_280 = arith.constant 0 : i32
        %parallel_loop3A_281 = vector.broadcast %parallel_loop3A_280 : i32 to vector<16xi32>
        %parallel_loop3A_282 = vector.broadcast %parallel_loop3A_279 : i32 to vector<16xi32>
        %parallel_loop3A_283 = arith.addi %parallel_loop3A_281, %parallel_loop3A_282 : vector<16xi32>
        %parallel_loop3A_284 = arith.constant 0 : i32
        %parallel_loop3A_285 = arith.constant 0 : i32
        %parallel_loop3A_286 = tpu.memref_slice %arg6[%parallel_loop3A_166, %parallel_loop3A_284, %parallel_loop3A_285] : memref<2x512x32xf32, #tpu.memory_space<vmem>> -> memref<1x512x32xf32, #tpu.memory_space<vmem>>
        %parallel_loop3A_287 = tpu.memref_squeeze %parallel_loop3A_286 : memref<1x512x32xf32, #tpu.memory_space<vmem>> -> memref<512x32xf32, #tpu.memory_space<vmem>>
        %parallel_loop3A_288 = arith.index_cast %parallel_loop3A_279 : i32 to index
        %parallel_loop3A_289 = arith.constant 0 : index
        %parallel_loop3A_290 = tpu.vector_load %parallel_loop3A_287[%parallel_loop3A_288, %parallel_loop3A_289] {strides = array<i32>} : memref<512x32xf32, #tpu.memory_space<vmem>>, vector<16xf32>,
        %parallel_loop3A_291 = arith.constant 0 : i32
        %parallel_loop3A_292 = arith.constant 0 : i32
        %parallel_loop3A_293 = tpu.memref_slice %arg7[%parallel_loop3A_167, %parallel_loop3A_291, %parallel_loop3A_292] : memref<2x32x513xf32, #tpu.memory_space<vmem>> -> memref<1x32x513xf32, #tpu.memory_space<vmem>>
        %parallel_loop3A_294 = tpu.memref_squeeze %parallel_loop3A_293 : memref<1x32x513xf32, #tpu.memory_space<vmem>> -> memref<32x513xf32, #tpu.memory_space<vmem>>
        tpu.vector_store_idx %parallel_loop3A_294[%add3A_5, %parallel_loop3A_283], %parallel_loop3A_290 : memref<32x513xf32, #tpu.memory_space<vmem>>[vector<16xi32>, vector<16xi32>], vector<16xf32>,
        %parallel_loop3A_295 = arith.constant 0 : i32
        %parallel_loop3A_296 = arith.constant 0 : i32
        %parallel_loop3A_297 = tpu.memref_slice %arg6[%parallel_loop3A_166, %parallel_loop3A_295, %parallel_loop3A_296] : memref<2x512x32xf32, #tpu.memory_space<vmem>> -> memref<1x512x32xf32, #tpu.memory_space<vmem>>
        %parallel_loop3A_298 = tpu.memref_squeeze %parallel_loop3A_297 : memref<1x512x32xf32, #tpu.memory_space<vmem>> -> memref<512x32xf32, #tpu.memory_space<vmem>>
        %parallel_loop3A_299 = arith.index_cast %parallel_loop3A_279 : i32 to index
        %parallel_loop3A_300 = arith.constant 16 : index
        %parallel_loop3A_301 = tpu.vector_load %parallel_loop3A_298[%parallel_loop3A_299, %parallel_loop3A_300] {strides = array<i32>} : memref<512x32xf32, #tpu.memory_space<vmem>>, vector<16xf32>,
        %parallel_loop3A_302 = arith.constant 0 : i32
        %parallel_loop3A_303 = arith.constant 0 : i32
        %parallel_loop3A_304 = tpu.memref_slice %arg7[%parallel_loop3A_167, %parallel_loop3A_302, %parallel_loop3A_303] : memref<2x32x513xf32, #tpu.memory_space<vmem>> -> memref<1x32x513xf32, #tpu.memory_space<vmem>>
        %parallel_loop3A_305 = tpu.memref_squeeze %parallel_loop3A_304 : memref<1x32x513xf32, #tpu.memory_space<vmem>> -> memref<32x513xf32, #tpu.memory_space<vmem>>
        tpu.vector_store_idx %parallel_loop3A_305[%add3A_9, %parallel_loop3A_283], %parallel_loop3A_301 : memref<32x513xf32, #tpu.memory_space<vmem>>[vector<16xi32>, vector<16xi32>], vector<16xf32>,
      } {sc.loop_unroll_factor = 8 : i64, sc.parallel_access}
      %dma_start3A_168 = arith.constant 0 : i32
      %dma_start3A_169 = arith.constant 0 : i32
      %dma_start3A_170 = arith.constant 0 : i32
      %dma_start3A_171 = tpu.memref_slice %arg7[%dma_start3A_168, %dma_start3A_169, %dma_start3A_170] : memref<2x32x513xf32, #tpu.memory_space<vmem>> -> memref<1x32x512xf32, #tpu.memory_space<vmem>>
      %dma_start3A_172 = tpu.memref_squeeze %dma_start3A_171 : memref<1x32x512xf32, #tpu.memory_space<vmem>> -> memref<32x512xf32, #tpu.memory_space<vmem>>
      %dma_start3A_173 = arith.constant 0 : i32
      %dma_start3A_174 = tpu.memref_slice %arg4[%mul3A_95, %dma_start3A_173, %mul3A_2] : memref<50x32x16384xf32, #tpu.memory_space<hbm>> -> memref<1x32x512xf32, #tpu.memory_space<hbm>>
      %dma_start3A_175 = tpu.memref_squeeze %dma_start3A_174 : memref<1x32x512xf32, #tpu.memory_space<hbm>> -> memref<32x512xf32, #tpu.memory_space<hbm>>
      %dma_start3A_176 = arith.constant 0 : i32
      %dma_start3A_177 = tpu.memref_slice %arg4[%mul3A_95, %dma_start3A_176, %mul3A_2] : memref<50x32x16384xf32, #tpu.memory_space<hbm>> -> memref<1x32x512xf32, #tpu.memory_space<hbm>>
      %dma_start3A_178 = tpu.memref_squeeze %dma_start3A_177 : memref<1x32x512xf32, #tpu.memory_space<hbm>> -> memref<32x512xf32, #tpu.memory_space<hbm>>
      %dma_start3A_179 = arith.constant 0 : i32
      %dma_start3A_180 = arith.constant 0 : i32
      %dma_start3A_181 = tpu.memref_slice %arg7[%dma_start3A_168, %dma_start3A_179, %dma_start3A_180] : memref<2x32x513xf32, #tpu.memory_space<vmem>> -> memref<1x32x512xf32, #tpu.memory_space<vmem>>
      %dma_start3A_182 = tpu.memref_squeeze %dma_start3A_181 : memref<1x32x512xf32, #tpu.memory_space<vmem>> -> memref<32x512xf32, #tpu.memory_space<vmem>>
      tpu.enqueue_dma source(%dma_start3A_182 : memref<32x512xf32, #tpu.memory_space<vmem>>) target(%dma_start3A_178 : memref<32x512xf32, #tpu.memory_space<hbm>>) target_semaphore(%arg10 : memref<!tpu.dma_semaphore, #tpu.memory_space<semaphore_mem>>)
      %mul3A_183 = arith.constant 2 : i32
      %mul3A_184 = arith.muli %mul3A_183, %scan3A_93 : i32
      %add3A_185 = arith.constant 1 : i32
      %add3A_186 = arith.addi %mul3A_184, %add3A_185 : i32
      %add3A_187 = arith.constant 1 : i32
      %add3A_188 = arith.addi %add3A_186, %add3A_187 : i32
      %lt3A_189 = arith.constant 50 : i32
      %lt3A_190 = arith.cmpi slt, %add3A_188, %lt3A_189 : i32
      %convert_element_type3A_191 = arith.extui %lt3A_190 : i1 to i32
      %cond3A_192 = arith.constant 0 : i32
      %cond3A_193 = arith.cmpi ne, %convert_element_type3A_191, %cond3A_192 : i32
      scf.if %cond3A_193 {
        %add3A_279 = arith.constant 1 : i32
        %add3A_280 = arith.addi %add3A_186, %add3A_279 : i32
        %dma_start3A_281 = arith.constant 0 : i32
        %dma_start3A_282 = arith.constant 0 : i32
        %dma_start3A_283 = arith.constant 0 : i32
        %dma_start3A_284 = tpu.memref_slice %arg6[%dma_start3A_281, %dma_start3A_282, %dma_start3A_283] : memref<2x512x32xf32, #tpu.memory_space<vmem>> -> memref<1x128x32xf32, #tpu.memory_space<vmem>>
        %dma_start3A_285 = tpu.memref_squeeze %dma_start3A_284 : memref<1x128x32xf32, #tpu.memory_space<vmem>> -> memref<128x32xf32, #tpu.memory_space<vmem>>
        %dma_start3A_286 = arith.constant 0 : i32
        %dma_start3A_287 = tpu.memref_slice %arg5[%add3A_280, %dma_start3A_286] : memref<50x512xi32, #tpu.memory_space<vmem>> -> memref<1x128xi32, #tpu.memory_space<vmem>>
        %dma_start3A_288 = tpu.memref_squeeze %dma_start3A_287 : memref<1x128xi32, #tpu.memory_space<vmem>> -> memref<128xi32, #tpu.memory_space<vmem>>
        %dma_start3A_289 = arith.constant 0 : i32
        %dma_start3A_290 = arith.constant 0 : i32
        %dma_start3A_291 = tpu.memref_slice %arg2[%dma_start3A_289, %dma_start3A_290] : memref<1000000x32xf32, #tpu.memory_space<hbm>> -> memref<1000000x32xf32, #tpu.memory_space<hbm>>
        tpu.enqueue_indirect_dma source(%dma_start3A_291 : memref<1000000x32xf32, #tpu.memory_space<hbm>>) target(%dma_start3A_285 : memref<128x32xf32, #tpu.memory_space<vmem>>) offsets(%dma_start3A_288 : memref<128xi32, #tpu.memory_space<vmem>>) semaphore(%arg8 : memref<!tpu.dma_semaphore, #tpu.memory_space<semaphore_mem>>)
        %dma_start3A_292 = arith.constant 0 : i32
        %dma_start3A_293 = arith.constant 128 : i32
        %dma_start3A_294 = arith.constant 0 : i32
        %dma_start3A_295 = tpu.memref_slice %arg6[%dma_start3A_292, %dma_start3A_293, %dma_start3A_294] : memref<2x512x32xf32, #tpu.memory_space<vmem>> -> memref<1x128x32xf32, #tpu.memory_space<vmem>>
        %dma_start3A_296 = tpu.memref_squeeze %dma_start3A_295 : memref<1x128x32xf32, #tpu.memory_space<vmem>> -> memref<128x32xf32, #tpu.memory_space<vmem>>
        %dma_start3A_297 = arith.constant 128 : i32
        %dma_start3A_298 = tpu.memref_slice %arg5[%add3A_280, %dma_start3A_297] : memref<50x512xi32, #tpu.memory_space<vmem>> -> memref<1x128xi32, #tpu.memory_space<vmem>>
        %dma_start3A_299 = tpu.memref_squeeze %dma_start3A_298 : memref<1x128xi32, #tpu.memory_space<vmem>> -> memref<128xi32, #tpu.memory_space<vmem>>
        %dma_start3A_300 = arith.constant 0 : i32
        %dma_start3A_301 = arith.constant 0 : i32
        %dma_start3A_302 = tpu.memref_slice %arg2[%dma_start3A_300, %dma_start3A_301] : memref<1000000x32xf32, #tpu.memory_space<hbm>> -> memref<1000000x32xf32, #tpu.memory_space<hbm>>
        tpu.enqueue_indirect_dma source(%dma_start3A_302 : memref<1000000x32xf32, #tpu.memory_space<hbm>>) target(%dma_start3A_296 : memref<128x32xf32, #tpu.memory_space<vmem>>) offsets(%dma_start3A_299 : memref<128xi32, #tpu.memory_space<vmem>>) semaphore(%arg8 : memref<!tpu.dma_semaphore, #tpu.memory_space<semaphore_mem>>)
        %dma_start3A_303 = arith.constant 0 : i32
        %dma_start3A_304 = arith.constant 256 : i32
        %dma_start3A_305 = arith.constant 0 : i32
        %dma_start3A_306 = tpu.memref_slice %arg6[%dma_start3A_303, %dma_start3A_304, %dma_start3A_305] : memref<2x512x32xf32, #tpu.memory_space<vmem>> -> memref<1x128x32xf32, #tpu.memory_space<vmem>>
        %dma_start3A_307 = tpu.memref_squeeze %dma_start3A_306 : memref<1x128x32xf32, #tpu.memory_space<vmem>> -> memref<128x32xf32, #tpu.memory_space<vmem>>
        %dma_start3A_308 = arith.constant 256 : i32
        %dma_start3A_309 = tpu.memref_slice %arg5[%add3A_280, %dma_start3A_308] : memref<50x512xi32, #tpu.memory_space<vmem>> -> memref<1x128xi32, #tpu.memory_space<vmem>>
        %dma_start3A_310 = tpu.memref_squeeze %dma_start3A_309 : memref<1x128xi32, #tpu.memory_space<vmem>> -> memref<128xi32, #tpu.memory_space<vmem>>
        %dma_start3A_311 = arith.constant 0 : i32
        %dma_start3A_312 = arith.constant 0 : i32
        %dma_start3A_313 = tpu.memref_slice %arg2[%dma_start3A_311, %dma_start3A_312] : memref<1000000x32xf32, #tpu.memory_space<hbm>> -> memref<1000000x32xf32, #tpu.memory_space<hbm>>
        tpu.enqueue_indirect_dma source(%dma_start3A_313 : memref<1000000x32xf32, #tpu.memory_space<hbm>>) target(%dma_start3A_307 : memref<128x32xf32, #tpu.memory_space<vmem>>) offsets(%dma_start3A_310 : memref<128xi32, #tpu.memory_space<vmem>>) semaphore(%arg8 : memref<!tpu.dma_semaphore, #tpu.memory_space<semaphore_mem>>)
        %dma_start3A_314 = arith.constant 0 : i32
        %dma_start3A_315 = arith.constant 384 : i32
        %dma_start3A_316 = arith.constant 0 : i32
        %dma_start3A_317 = tpu.memref_slice %arg6[%dma_start3A_314, %dma_start3A_315, %dma_start3A_316] : memref<2x512x32xf32, #tpu.memory_space<vmem>> -> memref<1x128x32xf32, #tpu.memory_space<vmem>>
        %dma_start3A_318 = tpu.memref_squeeze %dma_start3A_317 : memref<1x128x32xf32, #tpu.memory_space<vmem>> -> memref<128x32xf32, #tpu.memory_space<vmem>>
        %dma_start3A_319 = arith.constant 384 : i32
        %dma_start3A_320 = tpu.memref_slice %arg5[%add3A_280, %dma_start3A_319] : memref<50x512xi32, #tpu.memory_space<vmem>> -> memref<1x128xi32, #tpu.memory_space<vmem>>
        %dma_start3A_321 = tpu.memref_squeeze %dma_start3A_320 : memref<1x128xi32, #tpu.memory_space<vmem>> -> memref<128xi32, #tpu.memory_space<vmem>>
        %dma_start3A_322 = arith.constant 0 : i32
        %dma_start3A_323 = arith.constant 0 : i32
        %dma_start3A_324 = tpu.memref_slice %arg2[%dma_start3A_322, %dma_start3A_323] : memref<1000000x32xf32, #tpu.memory_space<hbm>> -> memref<1000000x32xf32, #tpu.memory_space<hbm>>
        tpu.enqueue_indirect_dma source(%dma_start3A_324 : memref<1000000x32xf32, #tpu.memory_space<hbm>>) target(%dma_start3A_318 : memref<128x32xf32, #tpu.memory_space<vmem>>) offsets(%dma_start3A_321 : memref<128xi32, #tpu.memory_space<vmem>>) semaphore(%arg8 : memref<!tpu.dma_semaphore, #tpu.memory_space<semaphore_mem>>)
      } else {
      }
      %dma_wait3A_194 = arith.constant 1 : i32
      %dma_wait3A_195 = arith.constant 0 : i32
      %dma_wait3A_196 = arith.constant 0 : i32
      %dma_wait3A_197 = tpu.memref_slice %arg6[%dma_wait3A_194, %dma_wait3A_195, %dma_wait3A_196] : memref<2x512x32xf32, #tpu.memory_space<vmem>> -> memref<1x128x32xf32, #tpu.memory_space<vmem>>
      %dma_wait3A_198 = tpu.memref_squeeze %dma_wait3A_197 : memref<1x128x32xf32, #tpu.memory_space<vmem>> -> memref<128x32xf32, #tpu.memory_space<vmem>>
      %dma_wait3A_199 = arith.constant 0 : i32
      %dma_wait3A_200 = arith.constant 0 : i32
      %dma_wait3A_201 = tpu.memref_slice %arg2[%dma_wait3A_199, %dma_wait3A_200] : memref<1000000x32xf32, #tpu.memory_space<hbm>> -> memref<128x32xf32, #tpu.memory_space<hbm>>
      %dma_wait3A_202 = arith.constant 0 : i32
      %dma_wait3A_203 = arith.constant 0 : i32
      %dma_wait3A_204 = tpu.memref_slice %arg6[%dma_wait3A_194, %dma_wait3A_202, %dma_wait3A_203] : memref<2x512x32xf32, #tpu.memory_space<vmem>> -> memref<1x128x32xf32, #tpu.memory_space<vmem>>
      %dma_wait3A_205 = tpu.memref_squeeze %dma_wait3A_204 : memref<1x128x32xf32, #tpu.memory_space<vmem>> -> memref<128x32xf32, #tpu.memory_space<vmem>>
      %dma_wait3A_206 = arith.constant 0 : i32
      %dma_wait3A_207 = arith.constant 0 : i32
      %dma_wait3A_208 = tpu.memref_slice %arg2[%dma_wait3A_206, %dma_wait3A_207] : memref<1000000x32xf32, #tpu.memory_space<hbm>> -> memref<128x32xf32, #tpu.memory_space<hbm>>
      tpu.wait_dma2 semaphore(%arg9 : memref<!tpu.dma_semaphore, #tpu.memory_space<semaphore_mem>>) src(%dma_wait3A_208 : memref<128x32xf32, #tpu.memory_space<hbm>>) dst(%dma_wait3A_205 : memref<128x32xf32, #tpu.memory_space<vmem>>)
      %dma_wait3A_209 = arith.constant 1 : i32
      %dma_wait3A_210 = arith.constant 128 : i32
      %dma_wait3A_211 = arith.constant 0 : i32
      %dma_wait3A_212 = tpu.memref_slice %arg6[%dma_wait3A_209, %dma_wait3A_210, %dma_wait3A_211] : memref<2x512x32xf32, #tpu.memory_space<vmem>> -> memref<1x128x32xf32, #tpu.memory_space<vmem>>
      %dma_wait3A_213 = tpu.memref_squeeze %dma_wait3A_212 : memref<1x128x32xf32, #tpu.memory_space<vmem>> -> memref<128x32xf32, #tpu.memory_space<vmem>>
      %dma_wait3A_214 = arith.constant 0 : i32
      %dma_wait3A_215 = arith.constant 0 : i32
      %dma_wait3A_216 = tpu.memref_slice %arg2[%dma_wait3A_214, %dma_wait3A_215] : memref<1000000x32xf32, #tpu.memory_space<hbm>> -> memref<128x32xf32, #tpu.memory_space<hbm>>
      %dma_wait3A_217 = arith.constant 128 : i32
      %dma_wait3A_218 = arith.constant 0 : i32
      %dma_wait3A_219 = tpu.memref_slice %arg6[%dma_wait3A_209, %dma_wait3A_217, %dma_wait3A_218] : memref<2x512x32xf32, #tpu.memory_space<vmem>> -> memref<1x128x32xf32, #tpu.memory_space<vmem>>
      %dma_wait3A_220 = tpu.memref_squeeze %dma_wait3A_219 : memref<1x128x32xf32, #tpu.memory_space<vmem>> -> memref<128x32xf32, #tpu.memory_space<vmem>>
      %dma_wait3A_221 = arith.constant 0 : i32
      %dma_wait3A_222 = arith.constant 0 : i32
      %dma_wait3A_223 = tpu.memref_slice %arg2[%dma_wait3A_221, %dma_wait3A_222] : memref<1000000x32xf32, #tpu.memory_space<hbm>> -> memref<128x32xf32, #tpu.memory_space<hbm>>
      tpu.wait_dma2 semaphore(%arg9 : memref<!tpu.dma_semaphore, #tpu.memory_space<semaphore_mem>>) src(%dma_wait3A_223 : memref<128x32xf32, #tpu.memory_space<hbm>>) dst(%dma_wait3A_220 : memref<128x32xf32, #tpu.memory_space<vmem>>)
      %dma_wait3A_224 = arith.constant 1 : i32
      %dma_wait3A_225 = arith.constant 256 : i32
      %dma_wait3A_226 = arith.constant 0 : i32
      %dma_wait3A_227 = tpu.memref_slice %arg6[%dma_wait3A_224, %dma_wait3A_225, %dma_wait3A_226] : memref<2x512x32xf32, #tpu.memory_space<vmem>> -> memref<1x128x32xf32, #tpu.memory_space<vmem>>
      %dma_wait3A_228 = tpu.memref_squeeze %dma_wait3A_227 : memref<1x128x32xf32, #tpu.memory_space<vmem>> -> memref<128x32xf32, #tpu.memory_space<vmem>>
      %dma_wait3A_229 = arith.constant 0 : i32
      %dma_wait3A_230 = arith.constant 0 : i32
      %dma_wait3A_231 = tpu.memref_slice %arg2[%dma_wait3A_229, %dma_wait3A_230] : memref<1000000x32xf32, #tpu.memory_space<hbm>> -> memref<128x32xf32, #tpu.memory_space<hbm>>
      %dma_wait3A_232 = arith.constant 256 : i32
      %dma_wait3A_233 = arith.constant 0 : i32
      %dma_wait3A_234 = tpu.memref_slice %arg6[%dma_wait3A_224, %dma_wait3A_232, %dma_wait3A_233] : memref<2x512x32xf32, #tpu.memory_space<vmem>> -> memref<1x128x32xf32, #tpu.memory_space<vmem>>
      %dma_wait3A_235 = tpu.memref_squeeze %dma_wait3A_234 : memref<1x128x32xf32, #tpu.memory_space<vmem>> -> memref<128x32xf32, #tpu.memory_space<vmem>>
      %dma_wait3A_236 = arith.constant 0 : i32
      %dma_wait3A_237 = arith.constant 0 : i32
      %dma_wait3A_238 = tpu.memref_slice %arg2[%dma_wait3A_236, %dma_wait3A_237] : memref<1000000x32xf32, #tpu.memory_space<hbm>> -> memref<128x32xf32, #tpu.memory_space<hbm>>
      tpu.wait_dma2 semaphore(%arg9 : memref<!tpu.dma_semaphore, #tpu.memory_space<semaphore_mem>>) src(%dma_wait3A_238 : memref<128x32xf32, #tpu.memory_space<hbm>>) dst(%dma_wait3A_235 : memref<128x32xf32, #tpu.memory_space<vmem>>)
      %dma_wait3A_239 = arith.constant 1 : i32
      %dma_wait3A_240 = arith.constant 384 : i32
      %dma_wait3A_241 = arith.constant 0 : i32
      %dma_wait3A_242 = tpu.memref_slice %arg6[%dma_wait3A_239, %dma_wait3A_240, %dma_wait3A_241] : memref<2x512x32xf32, #tpu.memory_space<vmem>> -> memref<1x128x32xf32, #tpu.memory_space<vmem>>
      %dma_wait3A_243 = tpu.memref_squeeze %dma_wait3A_242 : memref<1x128x32xf32, #tpu.memory_space<vmem>> -> memref<128x32xf32, #tpu.memory_space<vmem>>
      %dma_wait3A_244 = arith.constant 0 : i32
      %dma_wait3A_245 = arith.constant 0 : i32
      %dma_wait3A_246 = tpu.memref_slice %arg2[%dma_wait3A_244, %dma_wait3A_245] : memref<1000000x32xf32, #tpu.memory_space<hbm>> -> memref<128x32xf32, #tpu.memory_space<hbm>>
      %dma_wait3A_247 = arith.constant 384 : i32
      %dma_wait3A_248 = arith.constant 0 : i32
      %dma_wait3A_249 = tpu.memref_slice %arg6[%dma_wait3A_239, %dma_wait3A_247, %dma_wait3A_248] : memref<2x512x32xf32, #tpu.memory_space<vmem>> -> memref<1x128x32xf32, #tpu.memory_space<vmem>>
      %dma_wait3A_250 = tpu.memref_squeeze %dma_wait3A_249 : memref<1x128x32xf32, #tpu.memory_space<vmem>> -> memref<128x32xf32, #tpu.memory_space<vmem>>
      %dma_wait3A_251 = arith.constant 0 : i32
      %dma_wait3A_252 = arith.constant 0 : i32
      %dma_wait3A_253 = tpu.memref_slice %arg2[%dma_wait3A_251, %dma_wait3A_252] : memref<1000000x32xf32, #tpu.memory_space<hbm>> -> memref<128x32xf32, #tpu.memory_space<hbm>>
      tpu.wait_dma2 semaphore(%arg9 : memref<!tpu.dma_semaphore, #tpu.memory_space<semaphore_mem>>) src(%dma_wait3A_253 : memref<128x32xf32, #tpu.memory_space<hbm>>) dst(%dma_wait3A_250 : memref<128x32xf32, #tpu.memory_space<vmem>>)
      %ge3A_254 = arith.constant 1 : i32
      %ge3A_255 = arith.cmpi sge, %scan3A_93, %ge3A_254 : i32
      %convert_element_type3A_256 = arith.extui %ge3A_255 : i1 to i32
      %cond3A_257 = arith.constant 0 : i32
      %cond3A_258 = arith.cmpi ne, %convert_element_type3A_256, %cond3A_257 : i32
      scf.if %cond3A_258 {
        %dma_wait3A_279 = arith.constant 0 : i32
        %dma_wait3A_280 = arith.constant 1 : i32
        %dma_wait3A_281 = arith.constant 0 : i32
        %dma_wait3A_282 = arith.constant 0 : i32
        %dma_wait3A_283 = tpu.memref_slice %arg7[%dma_wait3A_280, %dma_wait3A_281, %dma_wait3A_282] : memref<2x32x513xf32, #tpu.memory_space<vmem>> -> memref<1x32x512xf32, #tpu.memory_space<vmem>>
        %dma_wait3A_284 = tpu.memref_squeeze %dma_wait3A_283 : memref<1x32x512xf32, #tpu.memory_space<vmem>> -> memref<32x512xf32, #tpu.memory_space<vmem>>
        %dma_wait3A_285 = arith.constant 0 : i32
        %dma_wait3A_286 = tpu.memref_slice %arg4[%dma_wait3A_279, %dma_wait3A_285, %mul3A_2] : memref<50x32x16384xf32, #tpu.memory_space<hbm>> -> memref<1x32x512xf32, #tpu.memory_space<hbm>>
        %dma_wait3A_287 = tpu.memref_squeeze %dma_wait3A_286 : memref<1x32x512xf32, #tpu.memory_space<hbm>> -> memref<32x512xf32, #tpu.memory_space<hbm>>
        %dma_wait3A_288 = arith.constant 0 : i32
        %dma_wait3A_289 = arith.constant 0 : i32
        %dma_wait3A_290 = tpu.memref_slice %arg7[%dma_wait3A_280, %dma_wait3A_288, %dma_wait3A_289] : memref<2x32x513xf32, #tpu.memory_space<vmem>> -> memref<1x32x512xf32, #tpu.memory_space<vmem>>
        %dma_wait3A_291 = tpu.memref_squeeze %dma_wait3A_290 : memref<1x32x512xf32, #tpu.memory_space<vmem>> -> memref<32x512xf32, #tpu.memory_space<vmem>>
        %dma_wait3A_292 = arith.constant 0 : i32
        %dma_wait3A_293 = tpu.memref_slice %arg4[%dma_wait3A_279, %dma_wait3A_292, %mul3A_2] : memref<50x32x16384xf32, #tpu.memory_space<hbm>> -> memref<1x32x512xf32, #tpu.memory_space<hbm>>
        %dma_wait3A_294 = tpu.memref_squeeze %dma_wait3A_293 : memref<1x32x512xf32, #tpu.memory_space<hbm>> -> memref<32x512xf32, #tpu.memory_space<hbm>>
        tpu.wait_dma2 semaphore(%arg10 : memref<!tpu.dma_semaphore, #tpu.memory_space<semaphore_mem>>) src(%dma_wait3A_294 : memref<32x512xf32, #tpu.memory_space<hbm>>) dst(%dma_wait3A_291 : memref<32x512xf32, #tpu.memory_space<vmem>>)
      } else {
      }
      %parallel_loop3A_259 = arith.constant 0 : i32
      %parallel_loop3A_260 = arith.constant 512 : i32
      %parallel_loop3A_261 = arith.constant 1 : i32
      %parallel_loop3A_262 = arith.constant 1 : i32
      %parallel_loop3A_263 = arith.constant 1 : i32
      scf.for %parallel_loop3A_279 = %parallel_loop3A_259 to %parallel_loop3A_260 step %parallel_loop3A_261  : i32 {
        %parallel_loop3A_280 = arith.constant 0 : i32
        %parallel_loop3A_281 = vector.broadcast %parallel_loop3A_280 : i32 to vector<16xi32>
        %parallel_loop3A_282 = vector.broadcast %parallel_loop3A_279 : i32 to vector<16xi32>
        %parallel_loop3A_283 = arith.addi %parallel_loop3A_281, %parallel_loop3A_282 : vector<16xi32>
        %parallel_loop3A_284 = arith.constant 0 : i32
        %parallel_loop3A_285 = arith.constant 0 : i32
        %parallel_loop3A_286 = tpu.memref_slice %arg6[%parallel_loop3A_262, %parallel_loop3A_284, %parallel_loop3A_285] : memref<2x512x32xf32, #tpu.memory_space<vmem>> -> memref<1x512x32xf32, #tpu.memory_space<vmem>>
        %parallel_loop3A_287 = tpu.memref_squeeze %parallel_loop3A_286 : memref<1x512x32xf32, #tpu.memory_space<vmem>> -> memref<512x32xf32, #tpu.memory_space<vmem>>
        %parallel_loop3A_288 = arith.index_cast %parallel_loop3A_279 : i32 to index
        %parallel_loop3A_289 = arith.constant 0 : index
        %parallel_loop3A_290 = tpu.vector_load %parallel_loop3A_287[%parallel_loop3A_288, %parallel_loop3A_289] {strides = array<i32>} : memref<512x32xf32, #tpu.memory_space<vmem>>, vector<16xf32>,
        %parallel_loop3A_291 = arith.constant 0 : i32
        %parallel_loop3A_292 = arith.constant 0 : i32
        %parallel_loop3A_293 = tpu.memref_slice %arg7[%parallel_loop3A_263, %parallel_loop3A_291, %parallel_loop3A_292] : memref<2x32x513xf32, #tpu.memory_space<vmem>> -> memref<1x32x513xf32, #tpu.memory_space<vmem>>
        %parallel_loop3A_294 = tpu.memref_squeeze %parallel_loop3A_293 : memref<1x32x513xf32, #tpu.memory_space<vmem>> -> memref<32x513xf32, #tpu.memory_space<vmem>>
        tpu.vector_store_idx %parallel_loop3A_294[%add3A_5, %parallel_loop3A_283], %parallel_loop3A_290 : memref<32x513xf32, #tpu.memory_space<vmem>>[vector<16xi32>, vector<16xi32>], vector<16xf32>,
        %parallel_loop3A_295 = arith.constant 0 : i32
        %parallel_loop3A_296 = arith.constant 0 : i32
        %parallel_loop3A_297 = tpu.memref_slice %arg6[%parallel_loop3A_262, %parallel_loop3A_295, %parallel_loop3A_296] : memref<2x512x32xf32, #tpu.memory_space<vmem>> -> memref<1x512x32xf32, #tpu.memory_space<vmem>>
        %parallel_loop3A_298 = tpu.memref_squeeze %parallel_loop3A_297 : memref<1x512x32xf32, #tpu.memory_space<vmem>> -> memref<512x32xf32, #tpu.memory_space<vmem>>
        %parallel_loop3A_299 = arith.index_cast %parallel_loop3A_279 : i32 to index
        %parallel_loop3A_300 = arith.constant 16 : index
        %parallel_loop3A_301 = tpu.vector_load %parallel_loop3A_298[%parallel_loop3A_299, %parallel_loop3A_300] {strides = array<i32>} : memref<512x32xf32, #tpu.memory_space<vmem>>, vector<16xf32>,
        %parallel_loop3A_302 = arith.constant 0 : i32
        %parallel_loop3A_303 = arith.constant 0 : i32
        %parallel_loop3A_304 = tpu.memref_slice %arg7[%parallel_loop3A_263, %parallel_loop3A_302, %parallel_loop3A_303] : memref<2x32x513xf32, #tpu.memory_space<vmem>> -> memref<1x32x513xf32, #tpu.memory_space<vmem>>
        %parallel_loop3A_305 = tpu.memref_squeeze %parallel_loop3A_304 : memref<1x32x513xf32, #tpu.memory_space<vmem>> -> memref<32x513xf32, #tpu.memory_space<vmem>>
        tpu.vector_store_idx %parallel_loop3A_305[%add3A_9, %parallel_loop3A_283], %parallel_loop3A_301 : memref<32x513xf32, #tpu.memory_space<vmem>>[vector<16xi32>, vector<16xi32>], vector<16xf32>,
      } {sc.loop_unroll_factor = 8 : i64, sc.parallel_access}
      %dma_start3A_264 = arith.constant 1 : i32
      %dma_start3A_265 = arith.constant 0 : i32
      %dma_start3A_266 = arith.constant 0 : i32
      %dma_start3A_267 = tpu.memref_slice %arg7[%dma_start3A_264, %dma_start3A_265, %dma_start3A_266] : memref<2x32x513xf32, #tpu.memory_space<vmem>> -> memref<1x32x512xf32, #tpu.memory_space<vmem>>
      %dma_start3A_268 = tpu.memref_squeeze %dma_start3A_267 : memref<1x32x512xf32, #tpu.memory_space<vmem>> -> memref<32x512xf32, #tpu.memory_space<vmem>>
      %dma_start3A_269 = arith.constant 0 : i32
      %dma_start3A_270 = tpu.memref_slice %arg4[%add3A_186, %dma_start3A_269, %mul3A_2] : memref<50x32x16384xf32, #tpu.memory_space<hbm>> -> memref<1x32x512xf32, #tpu.memory_space<hbm>>
      %dma_start3A_271 = tpu.memref_squeeze %dma_start3A_270 : memref<1x32x512xf32, #tpu.memory_space<hbm>> -> memref<32x512xf32, #tpu.memory_space<hbm>>
      %dma_start3A_272 = arith.constant 0 : i32
      %dma_start3A_273 = tpu.memref_slice %arg4[%add3A_186, %dma_start3A_272, %mul3A_2] : memref<50x32x16384xf32, #tpu.memory_space<hbm>> -> memref<1x32x512xf32, #tpu.memory_space<hbm>>
      %dma_start3A_274 = tpu.memref_squeeze %dma_start3A_273 : memref<1x32x512xf32, #tpu.memory_space<hbm>> -> memref<32x512xf32, #tpu.memory_space<hbm>>
      %dma_start3A_275 = arith.constant 0 : i32
      %dma_start3A_276 = arith.constant 0 : i32
      %dma_start3A_277 = tpu.memref_slice %arg7[%dma_start3A_264, %dma_start3A_275, %dma_start3A_276] : memref<2x32x513xf32, #tpu.memory_space<vmem>> -> memref<1x32x512xf32, #tpu.memory_space<vmem>>
      %dma_start3A_278 = tpu.memref_squeeze %dma_start3A_277 : memref<1x32x512xf32, #tpu.memory_space<vmem>> -> memref<32x512xf32, #tpu.memory_space<vmem>>
      tpu.enqueue_dma source(%dma_start3A_278 : memref<32x512xf32, #tpu.memory_space<vmem>>) target(%dma_start3A_274 : memref<32x512xf32, #tpu.memory_space<hbm>>) target_semaphore(%arg10 : memref<!tpu.dma_semaphore, #tpu.memory_space<semaphore_mem>>)
    }
    %scan3A_61 = arith.constant 25 : i32
    %dma_wait3A = arith.constant 0 : i32
    %dma_wait3A_62 = arith.constant 0 : i32
    %dma_wait3A_63 = arith.constant 0 : i32
    %dma_wait3A_64 = arith.constant 0 : i32
    %dma_wait3A_65 = tpu.memref_slice %arg7[%dma_wait3A_62, %dma_wait3A_63, %dma_wait3A_64] : memref<2x32x513xf32, #tpu.memory_space<vmem>> -> memref<1x32x512xf32, #tpu.memory_space<vmem>>
    %dma_wait3A_66 = tpu.memref_squeeze %dma_wait3A_65 : memref<1x32x512xf32, #tpu.memory_space<vmem>> -> memref<32x512xf32, #tpu.memory_space<vmem>>
    %dma_wait3A_67 = arith.constant 0 : i32
    %dma_wait3A_68 = tpu.memref_slice %arg4[%dma_wait3A, %dma_wait3A_67, %mul3A_2] : memref<50x32x16384xf32, #tpu.memory_space<hbm>> -> memref<1x32x512xf32, #tpu.memory_space<hbm>>
    %dma_wait3A_69 = tpu.memref_squeeze %dma_wait3A_68 : memref<1x32x512xf32, #tpu.memory_space<hbm>> -> memref<32x512xf32, #tpu.memory_space<hbm>>
    %dma_wait3A_70 = arith.constant 0 : i32
    %dma_wait3A_71 = arith.constant 0 : i32
    %dma_wait3A_72 = tpu.memref_slice %arg7[%dma_wait3A_62, %dma_wait3A_70, %dma_wait3A_71] : memref<2x32x513xf32, #tpu.memory_space<vmem>> -> memref<1x32x512xf32, #tpu.memory_space<vmem>>
    %dma_wait3A_73 = tpu.memref_squeeze %dma_wait3A_72 : memref<1x32x512xf32, #tpu.memory_space<vmem>> -> memref<32x512xf32, #tpu.memory_space<vmem>>
    %dma_wait3A_74 = arith.constant 0 : i32
    %dma_wait3A_75 = tpu.memref_slice %arg4[%dma_wait3A, %dma_wait3A_74, %mul3A_2] : memref<50x32x16384xf32, #tpu.memory_space<hbm>> -> memref<1x32x512xf32, #tpu.memory_space<hbm>>
    %dma_wait3A_76 = tpu.memref_squeeze %dma_wait3A_75 : memref<1x32x512xf32, #tpu.memory_space<hbm>> -> memref<32x512xf32, #tpu.memory_space<hbm>>
    tpu.wait_dma2 semaphore(%arg10 : memref<!tpu.dma_semaphore, #tpu.memory_space<semaphore_mem>>) src(%dma_wait3A_76 : memref<32x512xf32, #tpu.memory_space<hbm>>) dst(%dma_wait3A_73 : memref<32x512xf32, #tpu.memory_space<vmem>>)
    %dma_wait3A_77 = arith.constant 0 : i32
    %dma_wait3A_78 = arith.constant 1 : i32
    %dma_wait3A_79 = arith.constant 0 : i32
    %dma_wait3A_80 = arith.constant 0 : i32
    %dma_wait3A_81 = tpu.memref_slice %arg7[%dma_wait3A_78, %dma_wait3A_79, %dma_wait3A_80] : memref<2x32x513xf32, #tpu.memory_space<vmem>> -> memref<1x32x512xf32, #tpu.memory_space<vmem>>
    %dma_wait3A_82 = tpu.memref_squeeze %dma_wait3A_81 : memref<1x32x512xf32, #tpu.memory_space<vmem>> -> memref<32x512xf32, #tpu.memory_space<vmem>>
    %dma_wait3A_83 = arith.constant 0 : i32
    %dma_wait3A_84 = tpu.memref_slice %arg4[%dma_wait3A_77, %dma_wait3A_83, %mul3A_2] : memref<50x32x16384xf32, #tpu.memory_space<hbm>> -> memref<1x32x512xf32, #tpu.memory_space<hbm>>
    %dma_wait3A_85 = tpu.memref_squeeze %dma_wait3A_84 : memref<1x32x512xf32, #tpu.memory_space<hbm>> -> memref<32x512xf32, #tpu.memory_space<hbm>>
    %dma_wait3A_86 = arith.constant 0 : i32
    %dma_wait3A_87 = arith.constant 0 : i32
    %dma_wait3A_88 = tpu.memref_slice %arg7[%dma_wait3A_78, %dma_wait3A_86, %dma_wait3A_87] : memref<2x32x513xf32, #tpu.memory_space<vmem>> -> memref<1x32x512xf32, #tpu.memory_space<vmem>>
    %dma_wait3A_89 = tpu.memref_squeeze %dma_wait3A_88 : memref<1x32x512xf32, #tpu.memory_space<vmem>> -> memref<32x512xf32, #tpu.memory_space<vmem>>
    %dma_wait3A_90 = arith.constant 0 : i32
    %dma_wait3A_91 = tpu.memref_slice %arg4[%dma_wait3A_77, %dma_wait3A_90, %mul3A_2] : memref<50x32x16384xf32, #tpu.memory_space<hbm>> -> memref<1x32x512xf32, #tpu.memory_space<hbm>>
    %dma_wait3A_92 = tpu.memref_squeeze %dma_wait3A_91 : memref<1x32x512xf32, #tpu.memory_space<hbm>> -> memref<32x512xf32, #tpu.memory_space<hbm>>
    tpu.wait_dma2 semaphore(%arg10 : memref<!tpu.dma_semaphore, #tpu.memory_space<semaphore_mem>>) src(%dma_wait3A_92 : memref<32x512xf32, #tpu.memory_space<hbm>>) dst(%dma_wait3A_89 : memref<32x512xf32, #tpu.memory_space<vmem>>)
    return
  }
}

</mosaic_0001>

<sc_bundles>
// kernel: kernel.3.cloned.1.call-start
scs
__scs_entry_jumppad:
0x0: {  	(pc) =	sbr.rel $0x88, $3  }
0x1: {  	(tag) =	ssettag $0x0;
	lr =	simm.s32 $0x1  }
0x2: {  	[smem:$0x3F9F] =	sst lr;
	_ =	strace $0xD0000000  }
0x3: {  	_ = 	snop  }
0x4: {  	_ = 	snop  }
0x5: {  	_ = 	snop  }
0x6: {  	_ = 	snop  }
0x7: {  	_ = 	snop  }
__scs_overlays_trampoline_lowered:
0x8: {  	[smem:$0x3FAE] =	sst s0  }
0x9: {  	[smem:$0x3FAF] =	sst s1  }
0xa: {  	[smem:$0x3FB0] =	sst s2  }
0xb: {  	[smem:$0x3FB1] =	sst s3  }
0xc: {  	[smem:$0x3FB2] =	sst s4  }
0xd: {  	[smem:$0x3FB3] =	sst s5  }
0xe: {  	[smem:$0x3FB4] =	sst s6  }
0xf: {  	[smem:$0x3FB5] =	sst s7  }
0x10: {  	[smem:$0x3FB6] =	sst s8  }
0x11: {  	[smem:$0x3FB7] =	sst s9;
	s0 =	simm.s32 @!p0 $0x0  }
0x12: {  	s1 =	sld [smem:$0x3F9D];
	s0 =	simm.s32 @p0 $0x1  }
0x13: {  	[smem:$0x3FB8] =	sst s0;
	s0 =	simm.s32 @!p1 $0x0  }
0x14: {  	s2 =	sld [smem:$0x3F9C];
	s0 =	simm.s32 @p1 $0x1  }
0x15: {  	[smem:$0x3FB9] =	sst s0;
	s0 =	simm.s32 @!p2 $0x0  }
0x16: {  	s3 =	sld [smem:$0x3FDB];
	s0 =	simm.s32 @p2 $0x1  }
0x17: {  	s4 =	simm.s32 $0x1BF5;
	[smem:$0x3FBB] =	sst s0  }
0x18: {  	s0 =	sld [smem:$0x3F9E];
	_ =	swait.ge [sflag:s4], $0x0  }
0x19: {  	s7 =	sld [smem:$0x3F9F]  }
0x1a: {  	s8 =	sadd.s32 $0xFFFFE003, lr  }
0x1b: {  	s9 =	sadd.s32 $0xFFFFFEF7, lr;
	s5 =	simm.s32 $0xFFFFFFFF;
	p2 =	slt.u32 s8, $0xFFFFF086  }
0x1c: {  	p1 =	slt.u32 s9, $0xF7A;
	s5 =	simm.s32 @!p2 $0x0  }
0x1d: {  	s5 =	simm.s32 @p1 $0x1;
	p0 =	seq.s32 s7, s2  }
0x1e: {  	s7 =	smul.u32 @!p0 $0xF7A, s2;
	p2 =	seq.s32 @!p0 s5, $0x0  }
0x1f: {  	s9 =	smul.u32 $0xF7A, s1;
	s8 =	simm.s32 @!p0 $0x1BF5;
	p2 =	por !p2, p0  }
0x20: {  	[sflag:s8] =	ssyncset.s32 @!p0 $0xFFFFF086;
	s6 =	sadd.s32 @!p0 s3, s7;
	s7 =	simm.s32 @!p0 $0x108  }
0x21: {  	s3 =	sadd.s32 s3, s9;
	s6 =	sadd.s32 @!p0 $0x88, s6;
	s7 =	simm.s32 @p2 $0x1082  }
0x22: {  	[simem:s7], [sflag:s8] =	dma.local @!p0 [hbm:s6], $0xF7A  }
0x23: {  	s9 =	sor.u32 $0xD0000000, s2;
	s6 =	simm.s32 $0x108;
	_ =	swait.ge @!p0 [sflag:s8], $0x0  }
0x24: {  	s3 =	sadd.s32 $0x88, s3;
	s6 =	simm.s32 @!p1 $0x1082;
	[sflag:s4] =	ssyncset.s32 $0xFFFFF086  }
0x25: {  	[simem:s6], [sflag:s4] =	dma.local [hbm:s3], $0xF7A  }
0x26: {  	[smem:$0x3F9F] =	sst s1;
	(tag) =	ssettag s2;
	_ =	strace s9  }
0x27: {  	s1 =	sld [smem:$0x3FAF]  }
0x28: {  	s2 =	sld [smem:$0x3FB0]  }
0x29: {  	s4 =	sld [smem:$0x3FB2]  }
0x2a: {  	p0 =	seq.s32 s5, $0x0;
	s5 =	sld [smem:$0x3FB3]  }
0x2b: {  	s6 =	sld [smem:$0x3FB4]  }
0x2c: {  	s7 =	sld [smem:$0x3FB5]  }
0x2d: {  	s3 =	simm.s32 $0x108;
	s8 =	sld [smem:$0x3FB6]  }
0x2e: {  	s3 =	simm.s32 @!p0 $0x1082;
	s9 =	sld [smem:$0x3FB7]  }
0x2f: {  	lr =	sadd.s32 s0, s3;
	s0 =	sld [smem:$0x3FAE]  }
0x30: {  	s3 =	sld [smem:$0x3FB1]  }
0x31: {  	[smem:$0x3FBA] =	sst s10  }
0x32: {  	s10 =	sld [smem:$0x3FB8];
	_ =	sdelay $0x3  }
0x33: {  	p0 =	seq.s32 s10, $0x1;
	s10 =	sld [smem:$0x3FBA];
	_ =	sdelay $0x3  }
0x34: {  	[smem:$0x3FBA] =	sst s10  }
0x35: {  	s10 =	sld [smem:$0x3FB9];
	_ =	sdelay $0x3  }
0x36: {  	p1 =	seq.s32 s10, $0x1;
	s10 =	sld [smem:$0x3FBA];
	_ =	sdelay $0x3  }
0x37: {  	[smem:$0x3FBA] =	sst s10  }
0x38: {  	s10 =	sld [smem:$0x3FBB]  }
0x39: {  	_ = 	snop;
	(pc) =	sbr.ind lr, $3  }
0x3a: {  	_ = 	snop  }
0x3b: {  	_ = 	snop  }
0x3c: {  	p2 =	seq.s32 s10, $0x1;
	s10 =	sld [smem:$0x3FBA]  }
0x3d: {  	_ =	shalt  }
0x3e: {  	_ =	shalt  }
0x3f: {  	_ =	shalt  }
0x40: {  	_ =	shalt  }
0x41: {  	_ =	shalt  }
0x42: {  	_ =	shalt  }
0x43: {  	_ =	shalt  }
0x44: {  	_ =	shalt  }
0x45: {  	_ =	shalt  }
0x46: {  	_ =	shalt  }
0x47: {  	_ =	shalt  }
0x48: {  	_ =	shalt  }
0x49: {  	_ =	shalt  }
0x4a: {  	_ =	shalt  }
0x4b: {  	_ =	shalt  }
0x4c: {  	_ =	shalt  }
0x4d: {  	_ =	shalt  }
0x4e: {  	_ =	shalt  }
0x4f: {  	_ =	shalt  }
0x50: {  	_ =	shalt  }
0x51: {  	_ =	shalt  }
0x52: {  	_ =	shalt  }
0x53: {  	_ =	shalt  }
0x54: {  	_ =	shalt  }
0x55: {  	_ =	shalt  }
0x56: {  	_ =	shalt  }
0x57: {  	_ =	shalt  }
0x58: {  	_ =	shalt  }
0x59: {  	_ =	shalt  }
0x5a: {  	_ =	shalt  }
0x5b: {  	_ =	shalt  }
0x5c: {  	_ =	shalt  }
0x5d: {  	_ =	shalt  }
0x5e: {  	_ =	shalt  }
0x5f: {  	_ =	shalt  }
0x60: {  	_ =	shalt  }
0x61: {  	_ =	shalt  }
0x62: {  	_ =	shalt  }
0x63: {  	_ =	shalt  }
0x64: {  	_ =	shalt  }
0x65: {  	_ =	shalt  }
0x66: {  	_ =	shalt  }
0x67: {  	_ =	shalt  }
0x68: {  	_ =	shalt  }
0x69: {  	_ =	shalt  }
0x6a: {  	_ =	shalt  }
0x6b: {  	_ =	shalt  }
0x6c: {  	_ =	shalt  }
0x6d: {  	_ =	shalt  }
0x6e: {  	_ =	shalt  }
0x6f: {  	_ =	shalt  }
0x70: {  	_ =	shalt  }
0x71: {  	_ =	shalt  }
0x72: {  	_ =	shalt  }
0x73: {  	_ =	shalt  }
0x74: {  	_ =	shalt  }
0x75: {  	_ =	shalt  }
0x76: {  	_ =	shalt  }
0x77: {  	_ =	shalt  }
0x78: {  	_ =	shalt  }
0x79: {  	_ =	shalt  }
0x7a: {  	_ =	shalt  }
0x7b: {  	_ =	shalt  }
0x7c: {  	_ =	shalt  }
0x7d: {  	_ =	shalt  }
0x7e: {  	_ =	shalt  }
0x7f: {  	_ =	shalt  }
0x80: {  	_ =	shalt  }
0x81: {  	_ =	shalt  }
0x82: {  	_ =	shalt  }
0x83: {  	_ =	shalt  }
0x84: {  	_ =	shalt  }
0x85: {  	_ =	shalt  }
0x86: {  	_ =	shalt  }
0x87: {  	_ =	shalt  }
.Lfunc_end0:
.L_simem_size_0:
called_computation_lowered:
.L_overlay_start_0:
0x88: {  	s2 =	sld [smem:$0x3FD9]  }
0x89: {  	s3 =	sld [smem:$0x3FFE];
	_ =	sdelay $0x1  }
0x8a: {  	s1 =	srdreg.scid  }
0x8b: {  	s0 =	sand.u32 $0x1, s1  }
0x8c: {  	s17 =	sshll.u32 s0, $0xA;
	s2 =	sadd.s32 s3, s2  }
0x8d: {  	s2 =	sadd.s32 s2, s17  }
0x8e: {  	[smem:$0x3FC6] =	sst s2  }
0x8f: {  	_ = 	snop  }
0x90: {  	s2 =	sld [smem:$0x3FD0];
	(tm) =	ssettm $0x1  }
0x91: {  	s18 =	sld [smem:$0x3FFB];
	_ =	sdelay $0x3  }
0x92: {  	_ =	strace s18  }
0x93: {  	s3 =	sld [smem:$0x3FFC];
	_ =	sdelay $0x3  }
0x94: {  	_ =	strace s3  }
0x95: {  	s3 =	sld [smem:$0x3FFD];
	_ =	sdelay $0x3  }
0x96: {  	_ =	strace s3  }
0x97: {  	_ =	strace $0x8FFFFFFF  }
0x98: {  	s19 =	sld [smem:$0x3FDB];
	_ =	sdelay $0x1  }
0x99: {  	s4 =	simm.s32 $_scs_section_size  }
0x9a: {  	s5 =	simm.s32 $_size__tile_overlayer_lowered;
	s6 =	simm.s32 $_tile_overlayer_lowered  }
0x9b: {  	s22 =	simm.s32 $0x1BFF;
	s21 =	sshll.u32 s6, $0x1;
	s3 =	sadd.s32 s4, s19  }
0x9c: {  	s7 =	simm.s32 $0x0;
	s20 =	sshll.u32 s5, $0x1;
	s5 =	sadd.s32 s21, s3  }
0x9d: {  	[timem:s7], [sflag:s22] =	dma.local [hbm:s5], s20  }
0x9e: {  	_ =	swait.ge [sflag:s22], s20  }
0x9f: {  	s4 =	ssub.s32 $0x0, s20;
	[sflag:s22] =	ssyncset.done $0x0  }
0xa0: {  	[sflag:s22] =	ssyncadd.s32 s4;
	_ =	sdelay $0x1  }
0xa1: {  	s23 =	simm.s32 $0x1B8B  }
0xa2: {  	_ =	swait.ge [sflag:s23], $0x1  }
0xa3: {  	[sflag:s23] =	ssyncset.done $0x0  }
0xa4: {  	s25 =	simm.s32 $0x1B8E;
	s24 =	sld [smem:$0x3FFE];
	[sflag:s23] =	ssyncadd.s32 $0xFFFFFFFF  }
0xa5: {  	s26 =	simm.s32 $execute0_lowered;
	[smem:$0x3FD2] =	sst s25  }
0xa6: {  	s5 =	sshll.u32 s26, $0x1;
	_ =	strace $0x80000046;
	[dreg:$0x1] =	wrdreg $0xFFFFFFFF  }
0xa7: {  	s28 =	simm.s32 $_size_execute0_lowered;
	s3 =	sadd.s32 s3, s5;
	[dreg:$0x0] =	wrdreg $0x0  }
0xa8: {  	s5 =	sshll.u32 s28, $0x1;
	[dreg:$0x2] =	wrdreg s3  }
0xa9: {  	[dreg:$0x3] =	wrdreg s5  }
0xaa: {  	[dreg:$0x4] =	wrdreg $0xC0  }
0xab: {  	_ =	task [dreg:s7], $0x5FFFF  }
0xac: {  	[dreg:$0x1] =	wrdreg $0xFFFFFFFF  }
0xad: {  	[dreg:$0x0] =	wrdreg $0x60  }
0xae: {  	[dreg:$0x2] =	wrdreg s24  }
0xaf: {  	[dreg:$0x3] =	wrdreg s2  }
0xb0: {  	[dreg:$0x4] =	wrdreg $0x9  }
0xb1: {  	_ =	task.clear_ibuf [dreg:s7], $0x5FFFF;
	_ =	strace $0x90000046  }
0xb2: {  	s29 =	simm.s32 $0x9;
	_ =	strace $0x80000048  }
0xb3: {  	_ =	swait.ge [sflag:s29], $0x1  }
0xb4: {  	[sflag:s29] =	ssyncadd.s32 $0xFFFFFFFF  }
0xb5: {  	_ =	strace $0x90000048  }
0xb6: {  	_ =	sfence  }
0xb7: {  	s30 =	sld [smem:$0x0];
	_ =	sdelay $0x2  }
0xb8: {  	s31 =	sshll.u32 s1, $0xD;
	s1 =	sshrl.u32 s1, $0x2  }
0xb9: {  	s3 =	sand.u32 $0x4000, s31;
	s1 =	sadd.s32 s1, s30  }
0xba: {  	s0 =	sor.u32 s3, s0;
	s1 =	sshll.u32 s1, $0x11  }
0xbb: {  	s0 =	sor.u32 s1, s0  }
0xbc: {  	s0 =	sadd.s32 $0x8F2B, s0  }
0xbd: {  	[sflag:s0] =	ssyncadd.remote.s32 $0x1  }
0xbe: {  	_ =	sfence.sel $0xFFFF  }
0xbf: {  	[dreg:$0x0] =	wrdreg $0xFFFFFFFF;
	(pc) =	sbr.abs _section_cstart, $3  }
0xc0: {  	[dreg:$0x1] =	wrdreg $0xFFFFFFFF  }
0xc1: {  	_ =	task.clear_ibuf [dreg:s7], $0x2FFFF;
	_ =	strace $0x9FFFFFFF  }
0xc2: {  	(tm) =	ssettm $0x7FFFFFFF  }
0xc3: {  	_ =	shalt  }
tec
execute0_lowered:
.L_overlay_start_1:
0x0: {  	(tag) =	ssettag $0x1  }
0x1: {  	s0 =	rddreg [dreg:$0x0]  }
0x2: {  	s1 =	rddreg [dreg:$0x1];
	s3 =	srdreg.scid;
	s2 =	simm.s32 $0x0  }
0x3: {  	s4 =	stileid.u32;
	s10 =	simm.s32 $0x4;
	s11 =	simm.s32 $0x80  }
0x4: {  	s12 =	simm.s32 $0x6400;
	s13 =	simm.s32 $0x7400;
	s14 =	simm.s32 $0x100  }
0x5: {  	s15 =	simm.s32 $0x8400;
	s16 =	simm.s32 $0x180;
	s17 =	simm.s32 $0x9400  }
0x6: {  	v0 =	vlaneseq.u32;
	s18 =	simm.s32 $0xA400;
	s19 =	simm.s32 $0xB400;
	s20 =	simm.s32 $0xC400  }
0x7: {  	v1 =	vimm.s32 $0x0;
	vm0 =	vcmask $0x300;
	s21 =	simm.s32 $0xD400;
	s22 =	simm.s32 $0x1;
	s23 =	simm.s32 $0xE400;
	v0 =	vmul.u32 $0x208, v0  }
0x8: {  	s24 =	simm.s32 $0x2;
	s25 =	simm.s32 $0x12500;
	s26 =	simm.s32 $0x3;
	v1 =	vsel vm0, $0x3, v1  }
0x9: {  	s28 =	simm.s32 $0x0;
	s3 =	sand.u32 $0x1, s3;
	[smem:$0x7FF] =	sst s2;
	v2 =	vadd.s32 $0x2080, v0;
	v3 =	vor.u32 $0x1, v0;
	v4 =	vadd.s32 $0x2081, v0  }
0xa: {  	s4 =	sshll.u32 s4, $0xA;
	s5 =	sshll.u32 s3, $0x9;
	s6 =	ssub.s32 $0x2, s3;
	v5 =	vor.u32 $0x2, v0;
	v6 =	vadd.s32 $0x2082, v0;
	v7 =	vor.u32 $0x3, v0  }
0xb: {  	_ =	strace $0x80000047;
	s3 =	sor.u32 s5, s4;
	s7 =	sshrl.u32 s6, $0x1;
	v8 =	vadd.s32 $0x2083, v0;
	v9 =	vor.u32 $0x4, v0;
	v10 =	vadd.s32 $0x2084, v0  }
0xc: {  	s4 =	sadd.s32 $0xF42A00, s0;
	v11 =	vor.u32 $0x5, v0;
	v12 =	vadd.s32 $0x2085, v0;
	v13 =	vor.u32 $0x6, v0;
	s8 =	sshrl.u32 s3, $0x3;
	s31 =	ssub.s32 s6, s7  }
0xd: {  	s5 =	sadd.s32 $0x600, s0;
	v14 =	vadd.s32 $0x2086, v0;
	v15 =	vor.u32 $0x7, v0;
	v16 =	vadd.s32 $0x2087, v0;
	s6 =	sadd.s32 s1, s8;
	s7 =	smax.u32 s31, $0x1  }
.LBB2_1:
0xe: {  	s0 =	simm.s32 $0x200;
	s1 =	simm.s32 $0x4000  }
0xf: {  	[tilespmem:s2], [sflag:$0x4] =	stream.strided.gather [hbm4b:s6+s0], $0x6400, s1, s0, $0x38;
	[tilespmem:$0x16600] =	vst v63  }
0x10: {  	_ =	swait.ge [sflag:s10], $0x6400  }
0x11: {  	[sflag:s10] =	ssyncset.done $0x0  }
0x12: {  	[sflag:s10] =	ssyncadd.s32 $0xFFFF9C00  }
0x13: {  	[tilespmem:s12], [sflag:$0x1] =	stream.indirect.gather [hbm4b:s4+s11], $0x20, s2, s11, $0xb8;
	[tilespmem:$0x16600] =	vst v63  }
0x14: {  	_ = 	snop  }
0x15: {  	[tilespmem:s13], [sflag:$0x1] =	stream.indirect.gather [hbm4b:s4+s11], $0x20, s11, s11, $0xb8;
	[tilespmem:$0x16600] =	vst v63  }
0x16: {  	_ = 	snop  }
0x17: {  	[tilespmem:s15], [sflag:$0x1] =	stream.indirect.gather [hbm4b:s4+s11], $0x20, s14, s11, $0xb8;
	[tilespmem:$0x16600] =	vst v63  }
0x18: {  	s29 =	simm.s32 $0x0  }
0x19: {  	[tilespmem:s17], [sflag:$0x1] =	stream.indirect.gather [hbm4b:s4+s11], $0x20, s16, s11, $0xb8;
	[tilespmem:$0x16600] =	vst v63  }
.LBB2_2:
0x1a: {  	s30 =	sshllo.u32 s29, $0x1  }
0x1b: {  	s0 =	sshll.u32 s30, $0x9  }
0x1c: {  	s0 =	sand.u32 $0x3FFFFE00, s0  }
0x1d: {  	[tilespmem:s18], [sflag:$0x2] =	stream.indirect.gather [hbm4b:s4+s11], $0x20, s0, s11, $0xb8;
	[tilespmem:$0x16600] =	vst v63  }
0x1e: {  	s1 =	sor.u32 $0x80, s0  }
0x1f: {  	[tilespmem:s19], [sflag:$0x2] =	stream.indirect.gather [hbm4b:s4+s11], $0x20, s1, s11, $0xb8;
	[tilespmem:$0x16600] =	vst v63  }
0x20: {  	s8 =	sor.u32 $0x100, s0  }
0x21: {  	[tilespmem:s20], [sflag:$0x2] =	stream.indirect.gather [hbm4b:s4+s11], $0x20, s8, s11, $0xb8;
	[tilespmem:$0x16600] =	vst v63  }
0x22: {  	s0 =	sor.u32 $0x180, s0  }
0x23: {  	[tilespmem:s21], [sflag:$0x2] =	stream.indirect.gather [hbm4b:s4+s11], $0x20, s0, s11, $0xb8;
	[tilespmem:$0x16600] =	vst v63  }
0x24: {  	_ =	swait.ge [sflag:s22], $0x1000  }
0x25: {  	[sflag:s22] =	ssyncset.done $0x0  }
0x26: {  	[sflag:s22] =	ssyncadd.s32 $0xFFFFF000  }
0x27: {  	_ =	swait.ge [sflag:s22], $0x1000  }
0x28: {  	[sflag:s22] =	ssyncset.done $0x0  }
0x29: {  	[sflag:s22] =	ssyncadd.s32 $0xFFFFF000  }
0x2a: {  	s9 =	simm.s32 $0x0;
	_ =	swait.ge [sflag:s22], $0x1000  }
0x2b: {  	v17 =	vmov s9;
	s9 =	simm.s32 $0x3;
	[sflag:s22] =	ssyncset.done $0x0  }
0x2c: {  	v20 =	vmov s9;
	s9 =	simm.s32 $0x5;
	s8 =	simm.s32 $0x2;
	[sflag:s22] =	ssyncadd.s32 $0xFFFFF000  }
0x2d: {  	v17 =	vshrl.u32 v17, $0x3;
	s1 =	simm.s32 $0x1;
	v19 =	vmov s8;
	s8 =	simm.s32 $0x7;
	_ =	swait.ge [sflag:s22], $0x1000  }
0x2e: {  	p0 =	seq.s32 s29, $0x0;
	v23 =	vmov s9;
	v18 =	vmov s1;
	s1 =	simm.s32 $0x4;
	v22 =	vmov s8;
	[sflag:s22] =	ssyncset.done $0x0  }
0x2f: {  	v17 =	vshll.u32 v17, v1;
	v21 =	vmov s1;
	s1 =	simm.s32 @!p0 $0x3;
	v22 =	vshrl.u32 v22, $0x3;
	[sflag:s22] =	ssyncadd.s32 $0xFFFFF000  }
0x30: {  	v17 =	vbroadcast v17, $0x0;
	v18 =	vshrl.u32 v18, $0x3;
	v22 =	vshll.u32 v22, v1;
	_ =	swait.ge @!p0 [sflag:s1], $0x4000  }
0x31: {  	v20 =	vshrl.u32 v20, $0x3;
	v18 =	vshll.u32 v18, v1;
	v25 =	vbroadcast v22, $0x0;
	[sflag:s1] =	ssyncset.done @!p0 $0x0  }
0x32: {  	s31 =	simm.s32 $0x6480;
	v28 =	vadd.s32 v0, v17;
	s8 =	simm.s32 $0x6;
	v19 =	vshrl.u32 v19, $0x3;
	v30 =	vbroadcast v18, $0x0;
	[sflag:s1] =	ssyncadd.s32 @!p0 $0xFFFFC000  }
0x33: {  	v24 =	vmov s8;
	v18 =	vshll.u32 v19, v1;
	v26 =	vadd.s32 v15, v25;
	v19 =	vld [tilespmem:s31+$0x60]  }
0x34: {  	v36 =	vbroadcast v18, $0x0;
	v18 =	vshll.u32 v20, v1;
	v22 =	vshrl.u32 v21, $0x3;
	v27 =	vld [tilespmem:s31+$0xFFFFFF80]  }
0x35: {  	v31 =	vadd.s32 v3, v30;
	v21 =	vbroadcast v18, $0x0;
	v18 =	vshll.u32 v22, v1;
	v29 =	vld [tilespmem:s31+$0xFFFFFFA0]  }
0x36: {  	v33 =	vadd.s32 v5, v36;
	v20 =	vbroadcast v18, $0x0;
	v18 =	vshrl.u32 v23, $0x3;
	v32 =	vld [tilespmem:s31+$0xFFFFFFC0]  }
0x37: {  	v39 =	vadd.s32 v7, v21;
	v23 =	vshrl.u32 v24, $0x3;
	v18 =	vshll.u32 v18, v1;
	v34 =	vld [tilespmem:s31+$0xFFFFFFE0]  }
0x38: {  	v41 =	vadd.s32 v9, v20;
	v22 =	vbroadcast v18, $0x0;
	v18 =	vshll.u32 v23, v1;
	v40 =	vld [tilespmem:s31+$0x0];
	[tilespmem:v26+s23+$0x0] =	vst.idx.msk $0xffff, v19  }
0x39: {  	s8 =	simm.s32 $0xA;
	v35 =	vadd.s32 v4, v30;
	v25 =	vadd.s32 v16, v25;
	v23 =	vbroadcast v18, $0x0;
	[tilespmem:v28+s23+$0x0] =	vst.idx.msk $0xffff, v27;
	v24 =	vld [tilespmem:s31+$0x70]  }
0x3a: {  	s9 =	simm.s32 $0x8;
	v38 =	vmov s8;
	s8 =	simm.s32 $0xD;
	v36 =	vadd.s32 v6, v36;
	[tilespmem:v31+s23+$0x0] =	vst.idx.msk $0xffff, v29;
	v26 =	vld [tilespmem:s31+$0x20];
	v27 =	vadd.s32 v11, v22  }
0x3b: {  	v18 =	vmov s8;
	s1 =	simm.s32 $0x9;
	v19 =	vmov s9;
	s9 =	simm.s32 $0xB;
	[tilespmem:v33+s23+$0x0] =	vst.idx.msk $0xffff, v32;
	v29 =	vld [tilespmem:s31+$0x40];
	v31 =	vadd.s32 v13, v23  }
0x3c: {  	v37 =	vmov s1;
	s1 =	simm.s32 $0xC;
	[tilespmem:v39+s23+$0x0] =	vst.idx.msk $0xffff, v34;
	v19 =	vshrl.u32 v19, $0x3;
	v28 =	vmov s9;
	s9 =	simm.s32 $0xE;
	v33 =	vld [tilespmem:s31+$0xFFFFFFB0]  }
0x3d: {  	s0 =	simm.s32 $0x10;
	v32 =	vmov s1;
	s1 =	simm.s32 $0xF;
	[tilespmem:v41+s23+$0x0] =	vst.idx.msk $0xffff, v40;
	v34 =	vld [tilespmem:s31+$0xFFFFFFD0];
	v30 =	vshll.u32 v19, v1;
	v19 =	vmov s9  }
.LBB2_3:
0x3e: {  	p1 =	slt.u32 s0, $0x1F8;
	v37 =	vshrl.u32 v37, $0x3;
	v39 =	vmov s1;
	v40 =	vld [tilespmem:s31+$0xFFFFFFF0];
	v21 =	vadd.s32 v8, v21;
	[tilespmem:v25+s23+$0x0] =	vst.idx.msk $0xffff, v24  }
0x3f: {  	v24 =	vshrl.u32 v38, $0x3;
	v20 =	vadd.s32 v10, v20;
	v25 =	vshrl.u32 v39, $0x3;
	v38 =	vld [tilespmem:s31+$0x10];
	[tilespmem:v27+s23+$0x0] =	vst.idx.msk $0xffff, v26  }
0x40: {  	v22 =	vadd.s32 v12, v22;
	v26 =	vshrl.u32 v28, $0x3;
	v25 =	vshll.u32 v25, v1;
	v27 =	vld [tilespmem:s31+$0x30];
	[tilespmem:v31+s23+$0x0] =	vst.idx.msk $0xffff, v29  }
0x41: {  	v23 =	vadd.s32 v14, v23;
	v28 =	vshrl.u32 v32, $0x3;
	v25 =	vbroadcast v25, $0x0;
	[tilespmem:v35+s23+$0x0] =	vst.idx.msk $0xffff, v33;
	v29 =	vld [tilespmem:s31+$0x50]  }
0x42: {  	v31 =	vshll.u32 v37, v1;
	v33 =	vadd.s32 v2, v17;
	v17 =	vbroadcast v30, $0x0;
	v32 =	vld [tilespmem:s31+$0xFFFFFF90];
	[tilespmem:v36+s23+$0x0] =	vst.idx.msk $0xffff, v34;
	s31 =	sadd.s32 $0x100, s31  }
0x43: {  	v24 =	vshll.u32 v24, v1;
	v30 =	vbroadcast v31, $0x0;
	v31 =	vld [tilespmem:s31+$0x60];
	v34 =	vadd.s32 v15, v25;
	[tilespmem:v21+s23+$0x0] =	vst.idx.msk $0xffff, v40  }
0x44: {  	v39 =	vbroadcast v24, $0x0;
	v36 =	vadd.s32 v0, v17;
	v21 =	vshll.u32 v26, v1;
	v35 =	vld [tilespmem:s31+$0xFFFFFF80];
	[tilespmem:v20+s23+$0x0] =	vst.idx.msk $0xffff, v38  }
0x45: {  	v38 =	vadd.s32 v3, v30;
	v21 =	vbroadcast v21, $0x0;
	v20 =	vshll.u32 v28, v1;
	v26 =	vld [tilespmem:s31+$0xFFFFFFA0];
	[tilespmem:v22+s23+$0x0] =	vst.idx.msk $0xffff, v27  }
0x46: {  	v18 =	vshrl.u32 v18, $0x3;
	v41 =	vadd.s32 v5, v39;
	v20 =	vbroadcast v20, $0x0;
	v40 =	vld [tilespmem:s31+$0xFFFFFFC0];
	[tilespmem:v23+s23+$0x0] =	vst.idx.msk $0xffff, v29  }
0x47: {  	v19 =	vshrl.u32 v19, $0x3;
	v18 =	vshll.u32 v18, v1;
	v43 =	vadd.s32 v7, v21;
	v42 =	vld [tilespmem:s31+$0xFFFFFFE0];
	[tilespmem:v33+s23+$0x0] =	vst.idx.msk $0xffff, v32  }
0x48: {  	v22 =	vbroadcast v18, $0x0;
	v18 =	vshll.u32 v19, v1;
	v45 =	vadd.s32 v9, v20;
	v44 =	vld [tilespmem:s31+$0x0];
	[tilespmem:v34+s23+$0x0] =	vst.idx.msk $0xffff, v31  }
.Ltmp0:
0x49: {  	s1 =	sadd.s32 $0x1, s0;
	v25 =	vadd.s32 v16, v25;
	v19 =	vmov s0;
	v23 =	vbroadcast v18, $0x0;
	[tilespmem:v36+s23+$0x0] =	vst.idx.msk $0xffff, v35;
	v24 =	vld [tilespmem:s31+$0x70];
	(pc) =	sbr.rel @p1 .LBB2_3-.Ltmp0, $4  }
0x4a: {  	s8 =	sadd.s32 $0x3, s0;
	v37 =	vmov s1;
	s1 =	sadd.s32 $0x2, s0;
	v19 =	vshrl.u32 v19, $0x3;
	v27 =	vadd.s32 v11, v22;
	[tilespmem:v38+s23+$0x0] =	vst.idx.msk $0xffff, v26;
	v26 =	vld [tilespmem:s31+$0x20]  }
0x4b: {  	v28 =	vmov s8;
	s8 =	sadd.s32 $0x5, s0;
	v31 =	vadd.s32 v13, v23;
	v38 =	vmov s1;
	s1 =	sadd.s32 $0x4, s0;
	[tilespmem:v41+s23+$0x0] =	vst.idx.msk $0xffff, v40;
	v29 =	vld [tilespmem:s31+$0x40]  }
0x4c: {  	v18 =	vmov s8;
	v35 =	vadd.s32 v4, v30;
	v32 =	vmov s1;
	s1 =	sadd.s32 $0x6, s0;
	v33 =	vld [tilespmem:s31+$0xFFFFFFB0];
	[tilespmem:v43+s23+$0x0] =	vst.idx.msk $0xffff, v42  }
0x4d: {  	v30 =	vshll.u32 v19, v1;
	v36 =	vadd.s32 v6, v39;
	v19 =	vmov s1;
	s1 =	sadd.s32 $0x7, s0;
	s0 =	sadd.s32 $0x8, s0;
	v34 =	vld [tilespmem:s31+$0xFFFFFFD0];
	[tilespmem:v45+s23+$0x0] =	vst.idx.msk $0xffff, v44  }
0x4e: {  	_ =	sdelay $0x2  }
0x4f: {  	v37 =	vshrl.u32 v37, $0x3;
	v39 =	vmov s1  }
0x50: {  	v40 =	vld [tilespmem:s31+$0xFFFFFFF0];
	v21 =	vadd.s32 v8, v21;
	[tilespmem:v25+s23+$0x0] =	vst.idx.msk $0xffff, v24;
	v59 =	vshrl.u32 v38, $0x3;
	v20 =	vadd.s32 v10, v20  }
0x51: {  	v61 =	vld [tilespmem:s31+$0x10];
	v62 =	vshrl.u32 v28, $0x3;
	v22 =	vadd.s32 v12, v22;
	v63 =	vshrl.u32 v32, $0x3;
	[tilespmem:v27+s23+$0x0] =	vst.idx.msk $0xffff, v26  }
0x52: {  	v23 =	vadd.s32 v14, v23;
	v30 =	vbroadcast v30, $0x0;
	v41 =	vld [tilespmem:s31+$0xFFFFFF90];
	v17 =	vadd.s32 v2, v17;
	[tilespmem:v31+s23+$0x0] =	vst.idx.msk $0xffff, v29  }
0x53: {  	s0 =	sadd.s32 $0x100, s31;
	v18 =	vshrl.u32 v18, $0x3;
	v60 =	vshrl.u32 v39, $0x3;
	v39 =	vshll.u32 v37, v1;
	v27 =	vld [tilespmem:s31+$0x30];
	[tilespmem:v35+s23+$0x0] =	vst.idx.msk $0xffff, v33  }
0x54: {  	v24 =	vshll.u32 v59, v1;
	v44 =	vld [tilespmem:s0+$0xFFFFFF80];
	v31 =	vbroadcast v39, $0x0;
	v45 =	vadd.s32 v0, v30;
	[tilespmem:v36+s23+$0x0] =	vst.idx.msk $0xffff, v34  }
0x55: {  	v19 =	vshrl.u32 v19, $0x3;
	v26 =	vshll.u32 v62, v1;
	v24 =	vbroadcast v24, $0x0;
	v29 =	vld [tilespmem:s31+$0x50];
	[tilespmem:v21+s23+$0x0] =	vst.idx.msk $0xffff, v40  }
0x56: {  	v46 =	vld [tilespmem:s0+$0xFFFFFFA0];
	v18 =	vshll.u32 v18, v1;
	v26 =	vbroadcast v26, $0x0;
	v47 =	vadd.s32 v3, v31;
	[tilespmem:v20+s23+$0x0] =	vst.idx.msk $0xffff, v61  }
0x57: {  	v48 =	vld [tilespmem:s0+$0xFFFFFFC0];
	v19 =	vshll.u32 v19, v1;
	v18 =	vbroadcast v18, $0x0;
	v49 =	vadd.s32 v5, v24;
	[tilespmem:v17+s23+$0x0] =	vst.idx.msk $0xffff, v41  }
0x58: {  	v28 =	vshll.u32 v63, v1;
	v50 =	vld [tilespmem:s0+$0xFFFFFFE0];
	v19 =	vbroadcast v19, $0x0;
	v51 =	vadd.s32 v7, v26;
	[tilespmem:v22+s23+$0x0] =	vst.idx.msk $0xffff, v27  }
0x59: {  	v54 =	vld [tilespmem:s0+$0x20];
	v25 =	vshll.u32 v60, v1;
	v28 =	vbroadcast v28, $0x0;
	v55 =	vadd.s32 v11, v18;
	[tilespmem:v45+s23+$0x0] =	vst.idx.msk $0xffff, v44  }
0x5a: {  	v56 =	vld [tilespmem:s0+$0x40];
	v25 =	vbroadcast v25, $0x0;
	v57 =	vadd.s32 v13, v19;
	[tilespmem:v23+s23+$0x0] =	vst.idx.msk $0xffff, v29  }
0x5b: {  	v52 =	vadd.s32 v9, v28;
	v17 =	vld [tilespmem:s0+$0x0];
	[tilespmem:v47+s23+$0x0] =	vst.idx.msk $0xffff, v46  }
0x5c: {  	v42 =	vld [tilespmem:s0+$0x60];
	v43 =	vadd.s32 v15, v25;
	[tilespmem:v49+s23+$0x0] =	vst.idx.msk $0xffff, v48  }
0x5d: {  	v63 =	vadd.s32 v2, v30;
	v62 =	vld [tilespmem:s0+$0xFFFFFF90];
	[tilespmem:v51+s23+$0x0] =	vst.idx.msk $0xffff, v50  }
0x5e: {  	v31 =	vadd.s32 v4, v31;
	[tilespmem:v55+s23+$0x0] =	vst.idx.msk $0xffff, v54;
	v58 =	vld [tilespmem:s0+$0xFFFFFFB0]  }
0x5f: {  	v24 =	vadd.s32 v6, v24;
	[tilespmem:v57+s23+$0x0] =	vst.idx.msk $0xffff, v56;
	v59 =	vld [tilespmem:s0+$0xFFFFFFD0]  }
0x60: {  	v26 =	vadd.s32 v8, v26;
	[tilespmem:v52+s23+$0x0] =	vst.idx.msk $0xffff, v17;
	v17 =	vld [tilespmem:s0+$0xFFFFFFF0]  }
0x61: {  	v18 =	vadd.s32 v12, v18;
	[tilespmem:v43+s23+$0x0] =	vst.idx.msk $0xffff, v42;
	v20 =	vld [tilespmem:s0+$0x30]  }
0x62: {  	v19 =	vadd.s32 v14, v19;
	v22 =	vld [tilespmem:s0+$0x50];
	[tilespmem:v63+s23+$0x0] =	vst.idx.msk $0xffff, v62  }
0x63: {  	v25 =	vadd.s32 v16, v25;
	v53 =	vld [tilespmem:s0+$0x70];
	[tilespmem:v31+s23+$0x0] =	vst.idx.msk $0xffff, v58  }
0x64: {  	v61 =	vadd.s32 v10, v28;
	v60 =	vld [tilespmem:s0+$0x10];
	[tilespmem:v24+s23+$0x0] =	vst.idx.msk $0xffff, v59  }
0x65: {  	s9 =	sshll.u32 s29, $0x14;
	[tilespmem:v26+s23+$0x0] =	vst.idx.msk $0xffff, v17  }
0x66: {  	s0 =	sor.u32 s3, s9;
	[tilespmem:v18+s23+$0x0] =	vst.idx.msk $0xffff, v20  }
0x67: {  	s0 =	sshrl.u32 s0, $0x3;
	[tilespmem:v19+s23+$0x0] =	vst.idx.msk $0xffff, v22  }
0x68: {  	s1 =	simm.s32 $0x800;
	s0 =	sadd.s32 s5, s0;
	[tilespmem:v25+s23+$0x0] =	vst.idx.msk $0xffff, v53  }
0x69: {  	s8 =	simm.s32 $0xE608;
	s31 =	simm.s32 $0xE400;
	s9 =	sadd.s32 $0x0, s0;
	[tilespmem:v61+s23+$0x0] =	vst.idx.msk $0xffff, v60  }
.LBB2_5:
0x6a: {  	[hbm4b:s9+s2] =	stream.linear.scatter [tilespmem:s31], [sflag:$0x3], $0x200, $0x38;
	[tilespmem:$0x16600] =	vst v63  }
0x6b: {  	s9 =	smov.u32 s1;
	s31 =	smov.u32 s8;
	p1 =	sne.s32 s1, $0xF800  }
.Ltmp1:
0x6c: {  	s1 =	sadd.s32 $0x800, s1;
	(pc) =	sbr.rel @p1 .LBB2_5-.Ltmp1, $2  }
0x6d: {  	_ =	sdelay $0x2  }
0x6e: {  	s8 =	sadd.s32 $0x208, s8;
	s9 =	sadd.s32 s9, s0  }
0x6f: {  	[hbm4b:s9+s2] =	stream.linear.scatter [tilespmem:s31], [sflag:$0x3], $0x200, $0x38;
	[tilespmem:$0x16600] =	vst v63  }
0x70: {  	p1 =	seq.s32 s29, $0x18  }
0x71: {  	s0 =	sshll.u32 @!p1 s29, $0xA  }
0x72: {  	s0 =	sand.u32 @!p1 $0x3FFFFC00, s0  }
0x73: {  	s8 =	simm.s32 @!p1 $0x80;
	s9 =	simm.s32 @!p1 $0x6400;
	s1 =	sadd.s32 @!p1 $0x400, s0  }
0x74: {  	[tilespmem:s9], [sflag:$0x1] =	stream.indirect.gather @!p1 [hbm4b:s4+s8], $0x20, s1, s8, $0xb8;
	[tilespmem:$0x16600] =	vst v63  }
0x75: {  	s1 =	sadd.s32 @!p1 $0x480, s0;
	s9 =	simm.s32 @!p1 $0x7400  }
0x76: {  	[tilespmem:s9], [sflag:$0x1] =	stream.indirect.gather @!p1 [hbm4b:s4+s8], $0x20, s1, s8, $0xb8;
	[tilespmem:$0x16600] =	vst v63  }
0x77: {  	s1 =	sadd.s32 @!p1 $0x500, s0;
	s9 =	simm.s32 @!p1 $0x8400  }
0x78: {  	[tilespmem:s9], [sflag:$0x1] =	stream.indirect.gather @!p1 [hbm4b:s4+s8], $0x20, s1, s8, $0xb8;
	[tilespmem:$0x16600] =	vst v63  }
0x79: {  	s0 =	sadd.s32 @!p1 $0x580, s0;
	s1 =	simm.s32 @!p1 $0x9400  }
0x7a: {  	[tilespmem:s1], [sflag:$0x1] =	stream.indirect.gather @!p1 [hbm4b:s4+s8], $0x20, s0, s8, $0xb8;
	[tilespmem:$0x16600] =	vst v63  }
0x7b: {  	_ =	swait.ge [sflag:s24], $0x1000  }
0x7c: {  	[sflag:s24] =	ssyncset.done $0x0  }
0x7d: {  	[sflag:s24] =	ssyncadd.s32 $0xFFFFF000  }
0x7e: {  	_ =	swait.ge [sflag:s24], $0x1000  }
0x7f: {  	[sflag:s24] =	ssyncset.done $0x0  }
0x80: {  	[sflag:s24] =	ssyncadd.s32 $0xFFFFF000  }
0x81: {  	s9 =	simm.s32 $0x0;
	_ =	swait.ge [sflag:s24], $0x1000  }
0x82: {  	v17 =	vmov s9;
	s9 =	simm.s32 $0x3;
	[sflag:s24] =	ssyncset.done $0x0  }
0x83: {  	s1 =	simm.s32 $0x1;
	s8 =	simm.s32 $0x2;
	[sflag:s24] =	ssyncadd.s32 $0xFFFFF000  }
0x84: {  	v17 =	vshrl.u32 v17, $0x3;
	v20 =	vmov s9;
	s9 =	simm.s32 $0x5;
	v19 =	vmov s8;
	s8 =	simm.s32 $0x7;
	_ =	swait.ge [sflag:s24], $0x1000  }
0x85: {  	v18 =	vmov s1;
	s1 =	simm.s32 $0x4;
	v23 =	vmov s9;
	v22 =	vmov s8;
	[sflag:s24] =	ssyncset.done $0x0  }
0x86: {  	v17 =	vshll.u32 v17, v1;
	v21 =	vmov s1;
	s1 =	simm.s32 @!p0 $0x3;
	v22 =	vshrl.u32 v22, $0x3;
	[sflag:s24] =	ssyncadd.s32 $0xFFFFF000  }
0x87: {  	v20 =	vshrl.u32 v20, $0x3;
	v18 =	vshrl.u32 v18, $0x3;
	v22 =	vshll.u32 v22, v1;
	_ =	swait.ge @!p0 [sflag:s1], $0x4000  }
0x88: {  	s8 =	simm.s32 $0x6;
	v17 =	vbroadcast v17, $0x0;
	v18 =	vshll.u32 v18, v1;
	v25 =	vbroadcast v22, $0x0;
	[sflag:s1] =	ssyncset.done @!p0 $0x0  }
0x89: {  	s31 =	simm.s32 $0xA4F0;
	v19 =	vshrl.u32 v19, $0x3;
	v24 =	vmov s8;
	v30 =	vbroadcast v18, $0x0;
	[sflag:s1] =	ssyncadd.s32 @!p0 $0xFFFFC000  }
0x8a: {  	v18 =	vshll.u32 v19, v1;
	v28 =	vadd.s32 v0, v17;
	v26 =	vadd.s32 v15, v25;
	v19 =	vld [tilespmem:s31+$0xFFFFFFF0]  }
0x8b: {  	v22 =	vshrl.u32 v21, $0x3;
	v36 =	vbroadcast v18, $0x0;
	v18 =	vshll.u32 v20, v1;
	v27 =	vld [tilespmem:s31+$0xFFFFFF10]  }
0x8c: {  	v31 =	vadd.s32 v3, v30;
	v21 =	vbroadcast v18, $0x0;
	v18 =	vshll.u32 v22, v1;
	v29 =	vld [tilespmem:s31+$0xFFFFFF30]  }
0x8d: {  	v33 =	vadd.s32 v5, v36;
	v20 =	vbroadcast v18, $0x0;
	v18 =	vshrl.u32 v23, $0x3;
	v32 =	vld [tilespmem:s31+$0xFFFFFF50]  }
0x8e: {  	v23 =	vshrl.u32 v24, $0x3;
	v39 =	vadd.s32 v7, v21;
	v18 =	vshll.u32 v18, v1;
	v34 =	vld [tilespmem:s31+$0xFFFFFF70]  }
0x8f: {  	v41 =	vadd.s32 v9, v20;
	v22 =	vbroadcast v18, $0x0;
	v18 =	vshll.u32 v23, v1;
	v40 =	vld [tilespmem:s31+$0xFFFFFF90];
	[tilespmem:v26+s25+$0x0] =	vst.idx.msk $0xffff, v19  }
0x90: {  	s8 =	simm.s32 $0xA;
	v35 =	vadd.s32 v4, v30;
	v25 =	vadd.s32 v16, v25;
	v23 =	vbroadcast v18, $0x0;
	[tilespmem:v28+s25+$0x0] =	vst.idx.msk $0xffff, v27;
	v24 =	vld [tilespmem:s31+$0x0]  }
0x91: {  	s9 =	simm.s32 $0x8;
	v38 =	vmov s8;
	s8 =	simm.s32 $0xD;
	v36 =	vadd.s32 v6, v36;
	[tilespmem:v31+s25+$0x0] =	vst.idx.msk $0xffff, v29;
	v26 =	vld [tilespmem:s31+$0xFFFFFFB0];
	v27 =	vadd.s32 v11, v22  }
0x92: {  	v18 =	vmov s8;
	s1 =	simm.s32 $0x9;
	v19 =	vmov s9;
	s9 =	simm.s32 $0xB;
	[tilespmem:v33+s25+$0x0] =	vst.idx.msk $0xffff, v32;
	v29 =	vld [tilespmem:s31+$0xFFFFFFD0];
	v31 =	vadd.s32 v13, v23  }
0x93: {  	v37 =	vmov s1;
	s1 =	simm.s32 $0xC;
	[tilespmem:v39+s25+$0x0] =	vst.idx.msk $0xffff, v34;
	v19 =	vshrl.u32 v19, $0x3;
	v28 =	vmov s9;
	s9 =	simm.s32 $0xE;
	v33 =	vld [tilespmem:s31+$0xFFFFFF40]  }
0x94: {  	s0 =	simm.s32 $0x10;
	v32 =	vmov s1;
	s1 =	simm.s32 $0xF;
	[tilespmem:v41+s25+$0x0] =	vst.idx.msk $0xffff, v40;
	v34 =	vld [tilespmem:s31+$0xFFFFFF60];
	v30 =	vshll.u32 v19, v1;
	v19 =	vmov s9  }
.LBB2_7:
0x95: {  	p0 =	slt.u32 s0, $0x1F8;
	v37 =	vshrl.u32 v37, $0x3;
	v39 =	vmov s1;
	v40 =	vld [tilespmem:s31+$0xFFFFFF80];
	v21 =	vadd.s32 v8, v21;
	[tilespmem:v25+s25+$0x0] =	vst.idx.msk $0xffff, v24  }
0x96: {  	v24 =	vshrl.u32 v38, $0x3;
	v20 =	vadd.s32 v10, v20;
	v25 =	vshrl.u32 v39, $0x3;
	v38 =	vld [tilespmem:s31+$0xFFFFFFA0];
	[tilespmem:v27+s25+$0x0] =	vst.idx.msk $0xffff, v26  }
0x97: {  	v22 =	vadd.s32 v12, v22;
	v26 =	vshrl.u32 v28, $0x3;
	v25 =	vshll.u32 v25, v1;
	v27 =	vld [tilespmem:s31+$0xFFFFFFC0];
	[tilespmem:v31+s25+$0x0] =	vst.idx.msk $0xffff, v29  }
0x98: {  	v23 =	vadd.s32 v14, v23;
	v28 =	vshrl.u32 v32, $0x3;
	v25 =	vbroadcast v25, $0x0;
	[tilespmem:v35+s25+$0x0] =	vst.idx.msk $0xffff, v33;
	v29 =	vld [tilespmem:s31+$0xFFFFFFE0]  }
0x99: {  	v31 =	vshll.u32 v37, v1;
	v33 =	vadd.s32 v2, v17;
	v17 =	vbroadcast v30, $0x0;
	v32 =	vld [tilespmem:s31+$0xFFFFFF20];
	[tilespmem:v36+s25+$0x0] =	vst.idx.msk $0xffff, v34;
	s31 =	sadd.s32 $0x100, s31  }
0x9a: {  	v24 =	vshll.u32 v24, v1;
	v30 =	vbroadcast v31, $0x0;
	v31 =	vld [tilespmem:s31+$0xFFFFFFF0];
	v34 =	vadd.s32 v15, v25;
	[tilespmem:v21+s25+$0x0] =	vst.idx.msk $0xffff, v40  }
0x9b: {  	v39 =	vbroadcast v24, $0x0;
	v36 =	vadd.s32 v0, v17;
	v21 =	vshll.u32 v26, v1;
	v35 =	vld [tilespmem:s31+$0xFFFFFF10];
	[tilespmem:v20+s25+$0x0] =	vst.idx.msk $0xffff, v38  }
0x9c: {  	v38 =	vadd.s32 v3, v30;
	v21 =	vbroadcast v21, $0x0;
	v20 =	vshll.u32 v28, v1;
	v26 =	vld [tilespmem:s31+$0xFFFFFF30];
	[tilespmem:v22+s25+$0x0] =	vst.idx.msk $0xffff, v27  }
0x9d: {  	v18 =	vshrl.u32 v18, $0x3;
	v41 =	vadd.s32 v5, v39;
	v20 =	vbroadcast v20, $0x0;
	v40 =	vld [tilespmem:s31+$0xFFFFFF50];
	[tilespmem:v23+s25+$0x0] =	vst.idx.msk $0xffff, v29  }
0x9e: {  	v19 =	vshrl.u32 v19, $0x3;
	v18 =	vshll.u32 v18, v1;
	v43 =	vadd.s32 v7, v21;
	v42 =	vld [tilespmem:s31+$0xFFFFFF70];
	[tilespmem:v33+s25+$0x0] =	vst.idx.msk $0xffff, v32  }
0x9f: {  	v22 =	vbroadcast v18, $0x0;
	v18 =	vshll.u32 v19, v1;
	v45 =	vadd.s32 v9, v20;
	v44 =	vld [tilespmem:s31+$0xFFFFFF90];
	[tilespmem:v34+s25+$0x0] =	vst.idx.msk $0xffff, v31  }
.Ltmp2:
0xa0: {  	s1 =	sadd.s32 $0x1, s0;
	v25 =	vadd.s32 v16, v25;
	v19 =	vmov s0;
	v23 =	vbroadcast v18, $0x0;
	[tilespmem:v36+s25+$0x0] =	vst.idx.msk $0xffff, v35;
	v24 =	vld [tilespmem:s31+$0x0];
	(pc) =	sbr.rel @p0 .LBB2_7-.Ltmp2, $4  }
0xa1: {  	s8 =	sadd.s32 $0x3, s0;
	v37 =	vmov s1;
	s1 =	sadd.s32 $0x2, s0;
	v19 =	vshrl.u32 v19, $0x3;
	v27 =	vadd.s32 v11, v22;
	[tilespmem:v38+s25+$0x0] =	vst.idx.msk $0xffff, v26;
	v26 =	vld [tilespmem:s31+$0xFFFFFFB0]  }
0xa2: {  	v28 =	vmov s8;
	s8 =	sadd.s32 $0x5, s0;
	v31 =	vadd.s32 v13, v23;
	v38 =	vmov s1;
	s1 =	sadd.s32 $0x4, s0;
	[tilespmem:v41+s25+$0x0] =	vst.idx.msk $0xffff, v40;
	v29 =	vld [tilespmem:s31+$0xFFFFFFD0]  }
0xa3: {  	v18 =	vmov s8;
	v35 =	vadd.s32 v4, v30;
	v32 =	vmov s1;
	s1 =	sadd.s32 $0x6, s0;
	v33 =	vld [tilespmem:s31+$0xFFFFFF40];
	[tilespmem:v43+s25+$0x0] =	vst.idx.msk $0xffff, v42  }
0xa4: {  	v30 =	vshll.u32 v19, v1;
	v36 =	vadd.s32 v6, v39;
	v19 =	vmov s1;
	s1 =	sadd.s32 $0x7, s0;
	s0 =	sadd.s32 $0x8, s0;
	v34 =	vld [tilespmem:s31+$0xFFFFFF60];
	[tilespmem:v45+s25+$0x0] =	vst.idx.msk $0xffff, v44  }
0xa5: {  	_ =	sdelay $0x2  }
0xa6: {  	v37 =	vshrl.u32 v37, $0x3;
	v39 =	vmov s1  }
0xa7: {  	v40 =	vld [tilespmem:s31+$0xFFFFFF80];
	v21 =	vadd.s32 v8, v21;
	[tilespmem:v25+s25+$0x0] =	vst.idx.msk $0xffff, v24;
	v59 =	vshrl.u32 v38, $0x3;
	v20 =	vadd.s32 v10, v20  }
0xa8: {  	v61 =	vld [tilespmem:s31+$0xFFFFFFA0];
	v62 =	vshrl.u32 v28, $0x3;
	v22 =	vadd.s32 v12, v22;
	v63 =	vshrl.u32 v32, $0x3;
	[tilespmem:v27+s25+$0x0] =	vst.idx.msk $0xffff, v26  }
0xa9: {  	v23 =	vadd.s32 v14, v23;
	v30 =	vbroadcast v30, $0x0;
	v41 =	vld [tilespmem:s31+$0xFFFFFF20];
	v17 =	vadd.s32 v2, v17;
	[tilespmem:v31+s25+$0x0] =	vst.idx.msk $0xffff, v29  }
0xaa: {  	s0 =	sadd.s32 $0x100, s31;
	v18 =	vshrl.u32 v18, $0x3;
	v60 =	vshrl.u32 v39, $0x3;
	v39 =	vshll.u32 v37, v1;
	v27 =	vld [tilespmem:s31+$0xFFFFFFC0];
	[tilespmem:v35+s25+$0x0] =	vst.idx.msk $0xffff, v33  }
0xab: {  	v24 =	vshll.u32 v59, v1;
	v44 =	vld [tilespmem:s0+$0xFFFFFF10];
	v31 =	vbroadcast v39, $0x0;
	v45 =	vadd.s32 v0, v30;
	[tilespmem:v36+s25+$0x0] =	vst.idx.msk $0xffff, v34  }
0xac: {  	v19 =	vshrl.u32 v19, $0x3;
	v26 =	vshll.u32 v62, v1;
	v24 =	vbroadcast v24, $0x0;
	v29 =	vld [tilespmem:s31+$0xFFFFFFE0];
	[tilespmem:v21+s25+$0x0] =	vst.idx.msk $0xffff, v40  }
0xad: {  	v46 =	vld [tilespmem:s0+$0xFFFFFF30];
	v18 =	vshll.u32 v18, v1;
	v26 =	vbroadcast v26, $0x0;
	v47 =	vadd.s32 v3, v31;
	[tilespmem:v20+s25+$0x0] =	vst.idx.msk $0xffff, v61  }
0xae: {  	v48 =	vld [tilespmem:s0+$0xFFFFFF50];
	v19 =	vshll.u32 v19, v1;
	v18 =	vbroadcast v18, $0x0;
	v49 =	vadd.s32 v5, v24;
	[tilespmem:v17+s25+$0x0] =	vst.idx.msk $0xffff, v41  }
0xaf: {  	v28 =	vshll.u32 v63, v1;
	v50 =	vld [tilespmem:s0+$0xFFFFFF70];
	v19 =	vbroadcast v19, $0x0;
	v51 =	vadd.s32 v7, v26;
	[tilespmem:v22+s25+$0x0] =	vst.idx.msk $0xffff, v27  }
0xb0: {  	v54 =	vld [tilespmem:s0+$0xFFFFFFB0];
	v25 =	vshll.u32 v60, v1;
	v28 =	vbroadcast v28, $0x0;
	v55 =	vadd.s32 v11, v18;
	[tilespmem:v45+s25+$0x0] =	vst.idx.msk $0xffff, v44  }
0xb1: {  	v56 =	vld [tilespmem:s0+$0xFFFFFFD0];
	v25 =	vbroadcast v25, $0x0;
	v57 =	vadd.s32 v13, v19;
	[tilespmem:v23+s25+$0x0] =	vst.idx.msk $0xffff, v29  }
0xb2: {  	v52 =	vadd.s32 v9, v28;
	v17 =	vld [tilespmem:s0+$0xFFFFFF90];
	[tilespmem:v47+s25+$0x0] =	vst.idx.msk $0xffff, v46  }
0xb3: {  	v42 =	vld [tilespmem:s0+$0xFFFFFFF0];
	v43 =	vadd.s32 v15, v25;
	[tilespmem:v49+s25+$0x0] =	vst.idx.msk $0xffff, v48  }
0xb4: {  	v63 =	vadd.s32 v2, v30;
	v62 =	vld [tilespmem:s0+$0xFFFFFF20];
	[tilespmem:v51+s25+$0x0] =	vst.idx.msk $0xffff, v50  }
0xb5: {  	v31 =	vadd.s32 v4, v31;
	[tilespmem:v55+s25+$0x0] =	vst.idx.msk $0xffff, v54;
	v58 =	vld [tilespmem:s0+$0xFFFFFF40]  }
0xb6: {  	v24 =	vadd.s32 v6, v24;
	[tilespmem:v57+s25+$0x0] =	vst.idx.msk $0xffff, v56;
	v59 =	vld [tilespmem:s0+$0xFFFFFF60]  }
0xb7: {  	v26 =	vadd.s32 v8, v26;
	[tilespmem:v52+s25+$0x0] =	vst.idx.msk $0xffff, v17;
	v17 =	vld [tilespmem:s0+$0xFFFFFF80]  }
0xb8: {  	v18 =	vadd.s32 v12, v18;
	[tilespmem:v43+s25+$0x0] =	vst.idx.msk $0xffff, v42;
	v20 =	vld [tilespmem:s0+$0xFFFFFFC0]  }
0xb9: {  	v19 =	vadd.s32 v14, v19;
	v22 =	vld [tilespmem:s0+$0xFFFFFFE0];
	[tilespmem:v63+s25+$0x0] =	vst.idx.msk $0xffff, v62  }
0xba: {  	v25 =	vadd.s32 v16, v25;
	v53 =	vld [tilespmem:s0+$0x0];
	[tilespmem:v31+s25+$0x0] =	vst.idx.msk $0xffff, v58  }
0xbb: {  	v61 =	vadd.s32 v10, v28;
	v60 =	vld [tilespmem:s0+$0xFFFFFFA0];
	[tilespmem:v24+s25+$0x0] =	vst.idx.msk $0xffff, v59  }
0xbc: {  	s31 =	sshll.u32 s30, $0x13;
	[tilespmem:v26+s25+$0x0] =	vst.idx.msk $0xffff, v17  }
0xbd: {  	s0 =	sor.u32 s3, s31;
	[tilespmem:v18+s25+$0x0] =	vst.idx.msk $0xffff, v20  }
0xbe: {  	s0 =	sshrl.u32 s0, $0x3;
	[tilespmem:v19+s25+$0x0] =	vst.idx.msk $0xffff, v22  }
0xbf: {  	s1 =	simm.s32 $0x800;
	s0 =	sadd.s32 s5, s0;
	[tilespmem:v25+s25+$0x0] =	vst.idx.msk $0xffff, v53  }
0xc0: {  	s8 =	simm.s32 $0x12708;
	s30 =	simm.s32 $0x12500;
	s9 =	sadd.s32 $0x0, s0;
	[tilespmem:v61+s25+$0x0] =	vst.idx.msk $0xffff, v60  }
.LBB2_9:
0xc1: {  	[hbm4b:s9+s2] =	stream.linear.scatter [tilespmem:s30], [sflag:$0x3], $0x200, $0x38;
	[tilespmem:$0x16600] =	vst v63  }
0xc2: {  	s9 =	smov.u32 s1;
	s30 =	smov.u32 s8;
	p0 =	sne.s32 s1, $0xF800  }
.Ltmp3:
0xc3: {  	s1 =	sadd.s32 $0x800, s1;
	(pc) =	sbr.rel @p0 .LBB2_9-.Ltmp3, $2  }
0xc4: {  	_ =	sdelay $0x2  }
0xc5: {  	s8 =	sadd.s32 $0x208, s8;
	s9 =	sadd.s32 s9, s0  }
0xc6: {  	s29 =	sadd.s32 $0x1, s29  }
0xc7: {  	p0 =	sne.s32 s29, $0x19  }
.Ltmp4:
0xc8: {  	_ = 	snop;
	(pc) =	sbr.rel @p0 .LBB2_2-.Ltmp4, $2  }
0xc9: {  	_ =	sdelay $0x2  }
0xca: {  	[hbm4b:s9+s2] =	stream.linear.scatter [tilespmem:s30], [sflag:$0x3], $0x200, $0x38;
	[tilespmem:$0x16600] =	vst v63  }
0xcb: {  	s28 =	sadd.s32 $0x1, s28  }
0xcc: {  	_ =	swait.ge [sflag:s26], $0x4000;
	p0 =	sne.s32 s28, s7  }
.Ltmp5:
0xcd: {  	[sflag:s26] =	ssyncset.done $0x0;
	(pc) =	sbr.rel @p0 .LBB2_1-.Ltmp5, $4  }
0xce: {  	[sflag:s26] =	ssyncadd.s32 $0xFFFFC000  }
0xcf: {  	_ =	swait.ge [sflag:s26], $0x4000  }
0xd0: {  	[sflag:s26] =	ssyncset.done $0x0  }
0xd1: {  	[sflag:s26] =	ssyncadd.s32 $0xFFFFC000  }
0xd2: {  	_ =	sfence.sel $0x180000  }
0xd3: {  	[bflag:$0x0] =	sbarrier.arrive $0xFFFF  }
0xd4: {  	_ =	strace $0x90000047  }
0xd5: {  	s0 =	stileid.u32;
	[bflag:$0x2] =	sbarrier.arrive $0xFFFF  }
0xd6: {  	p0 =	sne.s32 s0, $0x0;
	s0 =	rddreg [dreg:$0x2]  }
0xd7: {  	s0 =	sadd.s32 @!p0 $0x100000, s0  }
0xd8: {  	[sflag:s0] =	ssyncadd.tile.s32 @!p0 $0x1;
	_ =	shalt  }
.Lfunc_end2:
_tile_overlayer_lowered:
.L_overlay_start_2:
0xd9: {  	(tag) =	ssettag $0x2  }
0xda: {  	s0 =	rddreg [dreg:$0x0];
	s2 =	stileid.u32  }
0xdb: {  	s1 =	rddreg [dreg:$0x1];
	p0 =	sne.s32 s2, $0x0  }
0xdc: {  	s3 =	rddreg [dreg:$0x2];
	[bflag:$0x3] =	sbarrier.arrive $0xFFFF;
	s2 =	simm.s32 @!p0 $0x1C04  }
0xdd: {  	[timem:s3], [sflag:s2] =	dma.local @!p0 [hbm:s0], s1  }
0xde: {  	s0 =	simm.s32 @!p0 $0x4  }
0xdf: {  	_ =	swait.ge @!p0 [sflag:s0], s1  }
0xe0: {  	s1 =	ssub.s32 @!p0 $0x0, s1;
	[sflag:s0] =	ssyncset.done @!p0 $0x0  }
0xe1: {  	[sflag:s0] =	ssyncadd.s32 @!p0 s1  }
0xe2: {  	[bflag:$0x3] =	sbarrier.arrive $0xFFFF  }
0xe3: {  	_ =	shalt  }

</sc_bundles>
